<compile_context>
chip_gen: v7x
topology: tpu7x:2x2x1
jax: 0.10.2.dev20260603
libtpu: 0.0.44.dev20260713+nightly
codegen_flags: <defaults>
</compile_context>

<pallas_src>
import jax
import jax.numpy as jnp
from jax.experimental import pallas as pl
from jax.experimental.pallas import tpu as pltpu
from jax.experimental.pallas import tpu_sc as plsc

_WINDOW = 128


def _sc_gather(table, idx3, n, d):
    nblk, _, rb = idx3.shape
    wpb = 2 * rb // _WINDOW
    half = _WINDOW // 2
    mesh = plsc.VectorSubcoreMesh(core_axis_name="core", subcore_axis_name="subcore")

    @pl.kernel(
        out_type=jax.ShapeDtypeStruct((n, d), jnp.float32),
        mesh=mesh,
        compiler_params=pltpu.CompilerParams(
            use_tc_tiling_on_sc=False, needs_layout_passes=False
        ),
        scratch_types=[pltpu.VMEM((_WINDOW,), jnp.int32)],
    )
    def gather_kernel(tab_hbm, i_hbm, o_hbm, ileave_ref):
        def body(i_vmem, o_vmem):
            lane = jax.lax.broadcasted_iota(jnp.int32, (16,), 0)
            zero = jnp.zeros((16,), jnp.int32)
            hsel = jax.lax.rem(lane, 2)
            tsel = jax.lax.shift_right_logical(lane, 1)
            for g in range(_WINDOW // 16):
                vals = plsc.load_gather(i_vmem, [zero, hsel, tsel + (8 * g)])
                ileave_ref[pl.ds(16 * g, 16)] = vals
            pltpu.sync_copy(tab_hbm.at[ileave_ref], o_vmem)

        pltpu.emit_pipeline(
            body,
            grid=(n // _WINDOW,),
            in_specs=[
                pl.BlockSpec(
                    (1, 2, half),
                    index_map=lambda w: (w // wpb, 0, w % wpb),
                )
            ],
            out_specs=[pl.BlockSpec((_WINDOW, d), index_map=lambda w: (w, 0))],
            core_axis_name=("core", "subcore"),
            dimension_semantics=(pltpu.PARALLEL,),
        )(i_hbm, o_hbm)

    return gather_kernel(table, idx3)


def _tc_layernorm_t(embt, gamma, beta, b, l, d):
    hb = b // 2

    def ln_body(e_ref, g_ref, b_ref, o_ref):
        e3 = e_ref[...].reshape(2, d, hb)
        inv = 1.0 / d
        mean = jnp.sum(e3, axis=1, keepdims=True) * inv
        msq = jnp.sum(e3 * e3, axis=1, keepdims=True) * inv
        var = msq - mean * mean
        g3 = g_ref[...].reshape(1, d, 1)
        b3 = b_ref[...].reshape(1, d, 1)
        normed = (e3 - mean) * jax.lax.rsqrt(var + 1e-5) * g3 + b3
        o_ref[0, :, 0:hb] = normed[0]
        o_ref[0, :, hb : 2 * hb] = normed[1]

    return pl.pallas_call(
        ln_body,
        grid=(l,),
        in_specs=[
            pl.BlockSpec((2 * d, hb), lambda i: (0, i)),
            pl.BlockSpec((d, 1), lambda i: (0, 0)),
            pl.BlockSpec((d, 1), lambda i: (0, 0)),
        ],
        out_specs=pl.BlockSpec((1, d, b), lambda i: (i, 0, 0)),
        out_shape=jax.ShapeDtypeStruct((l, d, b), jnp.float32),
    )(embt, gamma.reshape(d, 1), beta.reshape(d, 1))


def kernel(x, table, gamma, beta):
    b, l = x.shape
    v, d = table.shape
    n = b * l
    idx3 = x.T.astype(jnp.int32).reshape(l, 2, b // 2)
    emb = _sc_gather(table, idx3, n, d)
    emb2 = emb.reshape(n // 2, 2 * d)
    embt = emb2.T
    out_t = _tc_layernorm_t(embt, gamma, beta, b, l, d)
    return out_t.transpose(2, 0, 1)

# --- scband reference (transcript-rebuilt; emitter-appended) ---
"""Pipeline reference for scband-word-embedding-69157563400996 (READ-ONLY COPY).

The authoritative reference and input builder live on the scoring server;
editing this copy changes nothing except your own understanding.
"""

import jax, jax.numpy as jnp
import numpy as np

VOCAB = 1000000
EMBED = 64
B = 4096
L = 200

def setup_inputs(seed: int = 0) -> dict:
    key = jax.random.key(seed)
    k1, k2, k3 = jax.random.split(key, 3)
    x = jax.random.randint(k1, (B, L), 0, VOCAB, dtype=jnp.int64)
    table = jax.random.normal(k2, (VOCAB, EMBED), dtype=jnp.float32)
    gamma = jnp.ones((EMBED,), dtype=jnp.float32)
    beta = jnp.zeros((EMBED,), dtype=jnp.float32)
    return {"x": x, "table": table, "gamma": gamma, "beta": beta}

def reference(x, table, gamma, beta):
    # embedding lookup
    emb = jnp.take(table, x, axis=0)  # [B, L, EMBED]
    # layer norm over last dim, eps matches torch default 1e-5
    mean = jnp.mean(emb, axis=-1, keepdims=True)
    var = jnp.var(emb, axis=-1, keepdims=True)
    normed = (emb - mean) / jnp.sqrt(var + 1e-5)
    return normed * gamma + beta

if __name__ == "__main__":
    import jax
    _d = setup_inputs()
    print(jax.jit(kernel)(*tuple(_d.values())))

</pallas_src>

<mosaic_0001>
#map = affine_map<(d0, d1) -> (0, 0)>
#map1 = affine_map<(d0, d1) -> (0, 0, 0)>
module attributes {stable_mosaic.version = 14 : i64} {
  func.func @gather_kernel(%arg0: i32, %arg1: i32, %arg2: memref<1000000x64xf32, #tpu.memory_space<hbm>>, %arg3: memref<200x2x2048xi32, #tpu.memory_space<hbm>>, %arg4: memref<819200x64xf32, #tpu.memory_space<hbm>>, %arg5: memref<128xi32, #tpu.memory_space<vmem>>) attributes {dimension_semantics = [#tpu.dimension_semantics<core_parallel>, #tpu.dimension_semantics<subcore_parallel>], iteration_bounds = array<i64: 2, 16>, scalar_prefetch = 0 : i64, scratch_operands = 1 : i64, tpu.core_type = #tpu.core_type<sc_vector_subcore>, window_params = [{transform_indices = #map}, {transform_indices = #map1}, {transform_indices = #map}]} {
    %mul3A = arith.constant 1 : i32
    %mul3A_0 = arith.muli %arg1, %mul3A : i32
    %add3A = arith.constant 0 : i32
    %add3A_1 = arith.addi %add3A, %mul3A_0 : i32
    %mul3A_2 = arith.constant 16 : i32
    %mul3A_3 = arith.muli %arg0, %mul3A_2 : i32
    %add3A_4 = arith.addi %add3A_1, %mul3A_3 : i32
    %mul3A_5 = arith.constant 200 : i32
    %mul3A_6 = arith.muli %add3A_4, %mul3A_5 : i32
    "tpu.region"() ({
      %run_scoped3A = memref.alloca() : memref<2x1x2x64xi32, #tpu.memory_space<vmem>>
      %run_scoped3A_7 = tpu.sem_alloc : memref<2x!tpu.dma_semaphore, #tpu.memory_space<semaphore_mem>>
      %run_scoped3A_8 = memref.alloca() : memref<2x128x64xf32, #tpu.memory_space<vmem>>
      %run_scoped3A_9 = tpu.sem_alloc : memref<2x!tpu.dma_semaphore, #tpu.memory_space<semaphore_mem>>
      %add3A_10 = arith.constant 0 : i32
      %add3A_11 = arith.addi %add3A_10, %mul3A_6 : i32
      %select_n3A = arith.constant true
      %select_n3A_12 = arith.constant 0 : i32
      %select_n3A_13 = arith.constant -1 : i32
      %select_n3A_14 = arith.select %select_n3A, %select_n3A_13, %select_n3A_12 : i32
      %eq3A = arith.constant -1 : i32
      %eq3A_15 = arith.cmpi eq, %select_n3A_14, %eq3A : i32
      %select_n3A_16 = arith.constant 199 : i32
      %select_n3A_17 = arith.select %eq3A_15, %select_n3A_16, %select_n3A_14 : i32
      %add3A_18 = arith.addi %select_n3A_17, %mul3A_6 : i32
      %select_n3A_19 = arith.constant true
      %select_n3A_20 = arith.constant 0 : i32
      %select_n3A_21 = arith.constant 1 : i32
      %select_n3A_22 = arith.select %select_n3A_19, %select_n3A_21, %select_n3A_20 : i32
      %eq3A_23 = arith.constant 200 : i32
      %eq3A_24 = arith.cmpi eq, %select_n3A_22, %eq3A_23 : i32
      %select_n3A_25 = arith.constant 0 : i32
      %select_n3A_26 = arith.select %eq3A_24, %select_n3A_25, %select_n3A_22 : i32
      %add3A_27 = arith.addi %select_n3A_26, %mul3A_6 : i32
      %add3A_28 = arith.constant 1 : i32
      %add3A_29 = arith.addi %select_n3A_26, %add3A_28 : i32
      %select_n3A_30 = arith.constant true
      %select_n3A_31 = arith.select %select_n3A_30, %add3A_29, %select_n3A_26 : i32
      %eq3A_32 = arith.constant 200 : i32
      %eq3A_33 = arith.cmpi eq, %select_n3A_31, %eq3A_32 : i32
      %select_n3A_34 = arith.constant 0 : i32
      %select_n3A_35 = arith.select %eq3A_33, %select_n3A_34, %select_n3A_31 : i32
      %add3A_36 = arith.addi %select_n3A_35, %mul3A_6 : i32
      "tpu.trace_start"() <{level = 10 : i32, message = "ep_initialize_0"}> : () -> ()
      %rem3A = arith.constant 0 : i32
      %rem3A_37 = arith.constant 2 : i32
      %rem3A_38 = arith.remui %rem3A, %rem3A_37 : i32
      %jit3A = arith.constant 32 : i32
      %div3A = arith.divsi %add3A_11, %jit3A : i32
      %sign3A = arith.constant 0 : i32
      %sign3A_39 = arith.cmpi sgt, %add3A_11, %sign3A : i32
      %sign3A_40 = arith.extui %sign3A_39 : i1 to i32
      %sign3A_41 = arith.constant 0 : i32
      %sign3A_42 = arith.cmpi slt, %add3A_11, %sign3A_41 : i32
      %sign3A_43 = arith.extui %sign3A_42 : i1 to i32
      %sign3A_44 = arith.subi %sign3A_40, %sign3A_43 : i32
      %sign3A_45 = arith.constant 0 : i32
      %sign3A_46 = arith.cmpi sgt, %jit3A, %sign3A_45 : i32
      %sign3A_47 = arith.extui %sign3A_46 : i1 to i32
      %sign3A_48 = arith.constant 0 : i32
      %sign3A_49 = arith.cmpi slt, %jit3A, %sign3A_48 : i32
      %sign3A_50 = arith.extui %sign3A_49 : i1 to i32
      %sign3A_51 = arith.subi %sign3A_47, %sign3A_50 : i32
      %ne3A = arith.cmpi ne, %sign3A_44, %sign3A_51 : i32
      %rem3A_52 = arith.remsi %add3A_11, %jit3A : i32
      %ne3A_53 = arith.constant 0 : i32
      %ne3A_54 = arith.cmpi ne, %rem3A_52, %ne3A_53 : i32
      %and3A = arith.andi %ne3A, %ne3A_54 : i1
      %sub3A = arith.constant 1 : i32
      %sub3A_55 = arith.subi %div3A, %sub3A : i32
      %select_n3A_56 = arith.select %and3A, %sub3A_55, %div3A : i32
      %jit3A_57 = arith.constant 32 : i32
      %eq3A_58 = arith.constant 0 : i32
      %eq3A_59 = arith.cmpi eq, %jit3A_57, %eq3A_58 : i32
      %jit3A_60 = arith.constant 1 : i32
      %select_n3A_61 = arith.select %eq3A_59, %jit3A_60, %jit3A_57 : i32
      %rem3A_62 = arith.remsi %add3A_11, %select_n3A_61 : i32
      %ne3A_63 = arith.constant 0 : i32
      %ne3A_64 = arith.cmpi ne, %rem3A_62, %ne3A_63 : i32
      %lt3A = arith.constant 0 : i32
      %lt3A_65 = arith.cmpi slt, %rem3A_62, %lt3A : i32
      %lt3A_66 = arith.constant 0 : i32
      %lt3A_67 = arith.cmpi slt, %select_n3A_61, %lt3A_66 : i32
      %ne3A_68 = arith.xori %lt3A_65, %lt3A_67 : i1
      %and3A_69 = arith.andi %ne3A_68, %ne3A_64 : i1
      %add3A_70 = arith.addi %rem3A_62, %select_n3A_61 : i32
      %select_n3A_71 = arith.select %and3A_69, %add3A_70, %rem3A_62 : i32
      %mul3A_72 = arith.constant 1 : i32
      %mul3A_73 = arith.muli %mul3A_72, %select_n3A_56 : i32
      %mul3A_74 = arith.constant 64 : i32
      %mul3A_75 = arith.muli %mul3A_74, %select_n3A_71 : i32
      %dma_start3A = arith.constant 0 : i32
      %dma_start3A_76 = arith.constant 0 : i32
      %dma_start3A_77 = arith.constant 0 : i32
      %dma_start3A_78 = tpu.memref_slice %run_scoped3A[%rem3A_38, %dma_start3A, %dma_start3A_76, %dma_start3A_77] : memref<2x1x2x64xi32, #tpu.memory_space<vmem>> -> memref<1x1x2x64xi32, #tpu.memory_space<vmem>>
      %dma_start3A_79 = tpu.memref_squeeze %dma_start3A_78 : memref<1x1x2x64xi32, #tpu.memory_space<vmem>> -> memref<1x2x64xi32, #tpu.memory_space<vmem>>
      %dma_start3A_80 = arith.constant 0 : i32
      %dma_start3A_81 = tpu.memref_slice %arg3[%mul3A_73, %dma_start3A_80, %mul3A_75] : memref<200x2x2048xi32, #tpu.memory_space<hbm>> -> memref<1x2x64xi32, #tpu.memory_space<hbm>>
      %dma_start3A_82 = tpu.memref_slice %run_scoped3A_7[%rem3A_38] : memref<2x!tpu.dma_semaphore, #tpu.memory_space<semaphore_mem>> -> memref<1x!tpu.dma_semaphore, #tpu.memory_space<semaphore_mem>>
      %dma_start3A_83 = tpu.memref_squeeze %dma_start3A_82 : memref<1x!tpu.dma_semaphore, #tpu.memory_space<semaphore_mem>> -> memref<!tpu.dma_semaphore, #tpu.memory_space<semaphore_mem>>
      %dma_start3A_84 = arith.constant 0 : i32
      %dma_start3A_85 = arith.constant 0 : i32
      %dma_start3A_86 = arith.constant 0 : i32
      %dma_start3A_87 = tpu.memref_slice %run_scoped3A[%rem3A_38, %dma_start3A_84, %dma_start3A_85, %dma_start3A_86] : memref<2x1x2x64xi32, #tpu.memory_space<vmem>> -> memref<1x1x2x64xi32, #tpu.memory_space<vmem>>
      %dma_start3A_88 = tpu.memref_squeeze %dma_start3A_87 : memref<1x1x2x64xi32, #tpu.memory_space<vmem>> -> memref<1x2x64xi32, #tpu.memory_space<vmem>>
      %dma_start3A_89 = arith.constant 0 : i32
      %dma_start3A_90 = tpu.memref_slice %arg3[%mul3A_73, %dma_start3A_89, %mul3A_75] : memref<200x2x2048xi32, #tpu.memory_space<hbm>> -> memref<1x2x64xi32, #tpu.memory_space<hbm>>
      tpu.enqueue_dma source(%dma_start3A_90 : memref<1x2x64xi32, #tpu.memory_space<hbm>>) target(%dma_start3A_88 : memref<1x2x64xi32, #tpu.memory_space<vmem>>) target_semaphore(%dma_start3A_83 : memref<!tpu.dma_semaphore, #tpu.memory_space<semaphore_mem>>)
      %add3A_91 = arith.constant 0 : i32
      %add3A_92 = arith.constant 1 : i32
      %add3A_93 = arith.addi %add3A_91, %add3A_92 : i32
      %select_n3A_94 = arith.constant true
      %select_n3A_95 = arith.constant 0 : i32
      %select_n3A_96 = arith.select %select_n3A_94, %add3A_93, %select_n3A_95 : i32
      "tpu.trace_stop"() : () -> ()
      %scan3A = arith.constant 0 : i32
      %scan3A_97 = arith.constant 0 : i32
      %scan3A_98 = arith.constant 0 : i32
      %scan3A_99 = arith.constant 0 : i32
      %scan3A_100 = arith.constant 0 : i32
      %scan3A_101 = arith.constant 200 : i32
      %scan3A_102 = arith.addi %scan3A_100, %scan3A_101 : i32
      %scan3A_103 = arith.constant 1 : i32
      %scan3A_104:5 = scf.for %scan3A_159 = %scan3A_100 to %scan3A_102 step %scan3A_103 iter_args(%scan3A_160 = %select_n3A_96, %scan3A_161 = %scan3A, %scan3A_162 = %scan3A_97, %scan3A_163 = %scan3A_98, %scan3A_164 = %scan3A_99) -> (i32, i32, i32, i32, i32)  : i32 {
        %eq3A_165 = arith.constant 0 : i32
        %eq3A_166 = arith.cmpi eq, %scan3A_159, %eq3A_165 : i32
        %eq3A_167 = arith.constant 199 : i32
        %eq3A_168 = arith.cmpi eq, %scan3A_159, %eq3A_167 : i32
        %add3A_169 = arith.addi %scan3A_164, %mul3A_6 : i32
        %sub3A_170 = arith.constant 1 : i32
        %sub3A_171 = arith.subi %scan3A_164, %sub3A_170 : i32
        %select_n3A_172 = arith.constant true
        %select_n3A_173 = arith.select %select_n3A_172, %sub3A_171, %scan3A_164 : i32
        %eq3A_174 = arith.constant -1 : i32
        %eq3A_175 = arith.cmpi eq, %select_n3A_173, %eq3A_174 : i32
        %select_n3A_176 = arith.constant 199 : i32
        %select_n3A_177 = arith.select %eq3A_175, %select_n3A_176, %select_n3A_173 : i32
        %add3A_178 = arith.addi %select_n3A_177, %mul3A_6 : i32
        %add3A_179 = arith.constant 1 : i32
        %add3A_180 = arith.addi %scan3A_164, %add3A_179 : i32
        %select_n3A_181 = arith.constant true
        %select_n3A_182 = arith.select %select_n3A_181, %add3A_180, %scan3A_164 : i32
        %eq3A_183 = arith.constant 200 : i32
        %eq3A_184 = arith.cmpi eq, %select_n3A_182, %eq3A_183 : i32
        %select_n3A_185 = arith.constant 0 : i32
        %select_n3A_186 = arith.select %eq3A_184, %select_n3A_185, %select_n3A_182 : i32
        %add3A_187 = arith.addi %select_n3A_186, %mul3A_6 : i32
        %add3A_188 = arith.constant 1 : i32
        %add3A_189 = arith.addi %select_n3A_186, %add3A_188 : i32
        %select_n3A_190 = arith.constant true
        %select_n3A_191 = arith.select %select_n3A_190, %add3A_189, %select_n3A_186 : i32
        %eq3A_192 = arith.constant 200 : i32
        %eq3A_193 = arith.cmpi eq, %select_n3A_191, %eq3A_192 : i32
        %select_n3A_194 = arith.constant 0 : i32
        %select_n3A_195 = arith.select %eq3A_193, %select_n3A_194, %select_n3A_191 : i32
        %add3A_196 = arith.addi %select_n3A_195, %mul3A_6 : i32
        %jit3A_197 = arith.constant 32 : i32
        %div3A_198 = arith.divsi %add3A_169, %jit3A_197 : i32
        %sign3A_199 = arith.constant 0 : i32
        %sign3A_200 = arith.cmpi sgt, %add3A_169, %sign3A_199 : i32
        %sign3A_201 = arith.extui %sign3A_200 : i1 to i32
        %sign3A_202 = arith.constant 0 : i32
        %sign3A_203 = arith.cmpi slt, %add3A_169, %sign3A_202 : i32
        %sign3A_204 = arith.extui %sign3A_203 : i1 to i32
        %sign3A_205 = arith.subi %sign3A_201, %sign3A_204 : i32
        %sign3A_206 = arith.constant 0 : i32
        %sign3A_207 = arith.cmpi sgt, %jit3A_197, %sign3A_206 : i32
        %sign3A_208 = arith.extui %sign3A_207 : i1 to i32
        %sign3A_209 = arith.constant 0 : i32
        %sign3A_210 = arith.cmpi slt, %jit3A_197, %sign3A_209 : i32
        %sign3A_211 = arith.extui %sign3A_210 : i1 to i32
        %sign3A_212 = arith.subi %sign3A_208, %sign3A_211 : i32
        %ne3A_213 = arith.cmpi ne, %sign3A_205, %sign3A_212 : i32
        %rem3A_214 = arith.remsi %add3A_169, %jit3A_197 : i32
        %ne3A_215 = arith.constant 0 : i32
        %ne3A_216 = arith.cmpi ne, %rem3A_214, %ne3A_215 : i32
        %and3A_217 = arith.andi %ne3A_213, %ne3A_216 : i1
        %sub3A_218 = arith.constant 1 : i32
        %sub3A_219 = arith.subi %div3A_198, %sub3A_218 : i32
        %select_n3A_220 = arith.select %and3A_217, %sub3A_219, %div3A_198 : i32
        %jit3A_221 = arith.constant 32 : i32
        %eq3A_222 = arith.constant 0 : i32
        %eq3A_223 = arith.cmpi eq, %jit3A_221, %eq3A_222 : i32
        %jit3A_224 = arith.constant 1 : i32
        %select_n3A_225 = arith.select %eq3A_223, %jit3A_224, %jit3A_221 : i32
        %rem3A_226 = arith.remsi %add3A_169, %select_n3A_225 : i32
        %ne3A_227 = arith.constant 0 : i32
        %ne3A_228 = arith.cmpi ne, %rem3A_226, %ne3A_227 : i32
        %lt3A_229 = arith.constant 0 : i32
        %lt3A_230 = arith.cmpi slt, %rem3A_226, %lt3A_229 : i32
        %lt3A_231 = arith.constant 0 : i32
        %lt3A_232 = arith.cmpi slt, %select_n3A_225, %lt3A_231 : i32
        %ne3A_233 = arith.xori %lt3A_230, %lt3A_232 : i1
        %and3A_234 = arith.andi %ne3A_233, %ne3A_228 : i1
        %add3A_235 = arith.addi %rem3A_226, %select_n3A_225 : i32
        %select_n3A_236 = arith.select %and3A_234, %add3A_235, %rem3A_226 : i32
        %jit3A_237 = arith.constant 32 : i32
        %div3A_238 = arith.divsi %add3A_187, %jit3A_237 : i32
        %sign3A_239 = arith.constant 0 : i32
        %sign3A_240 = arith.cmpi sgt, %add3A_187, %sign3A_239 : i32
        %sign3A_241 = arith.extui %sign3A_240 : i1 to i32
        %sign3A_242 = arith.constant 0 : i32
        %sign3A_243 = arith.cmpi slt, %add3A_187, %sign3A_242 : i32
        %sign3A_244 = arith.extui %sign3A_243 : i1 to i32
        %sign3A_245 = arith.subi %sign3A_241, %sign3A_244 : i32
        %sign3A_246 = arith.constant 0 : i32
        %sign3A_247 = arith.cmpi sgt, %jit3A_237, %sign3A_246 : i32
        %sign3A_248 = arith.extui %sign3A_247 : i1 to i32
        %sign3A_249 = arith.constant 0 : i32
        %sign3A_250 = arith.cmpi slt, %jit3A_237, %sign3A_249 : i32
        %sign3A_251 = arith.extui %sign3A_250 : i1 to i32
        %sign3A_252 = arith.subi %sign3A_248, %sign3A_251 : i32
        %ne3A_253 = arith.cmpi ne, %sign3A_245, %sign3A_252 : i32
        %rem3A_254 = arith.remsi %add3A_187, %jit3A_237 : i32
        %ne3A_255 = arith.constant 0 : i32
        %ne3A_256 = arith.cmpi ne, %rem3A_254, %ne3A_255 : i32
        %and3A_257 = arith.andi %ne3A_253, %ne3A_256 : i1
        %sub3A_258 = arith.constant 1 : i32
        %sub3A_259 = arith.subi %div3A_238, %sub3A_258 : i32
        %select_n3A_260 = arith.select %and3A_257, %sub3A_259, %div3A_238 : i32
        %jit3A_261 = arith.constant 32 : i32
        %eq3A_262 = arith.constant 0 : i32
        %eq3A_263 = arith.cmpi eq, %jit3A_261, %eq3A_262 : i32
        %jit3A_264 = arith.constant 1 : i32
        %select_n3A_265 = arith.select %eq3A_263, %jit3A_264, %jit3A_261 : i32
        %rem3A_266 = arith.remsi %add3A_187, %select_n3A_265 : i32
        %ne3A_267 = arith.constant 0 : i32
        %ne3A_268 = arith.cmpi ne, %rem3A_266, %ne3A_267 : i32
        %lt3A_269 = arith.constant 0 : i32
        %lt3A_270 = arith.cmpi slt, %rem3A_266, %lt3A_269 : i32
        %lt3A_271 = arith.constant 0 : i32
        %lt3A_272 = arith.cmpi slt, %select_n3A_265, %lt3A_271 : i32
        %ne3A_273 = arith.xori %lt3A_270, %lt3A_272 : i1
        %and3A_274 = arith.andi %ne3A_273, %ne3A_268 : i1
        %add3A_275 = arith.addi %rem3A_266, %select_n3A_265 : i32
        %select_n3A_276 = arith.select %and3A_274, %add3A_275, %rem3A_266 : i32
        %ne3A_277 = arith.cmpi ne, %select_n3A_220, %select_n3A_260 : i32
        %ne3A_278 = arith.cmpi ne, %select_n3A_236, %select_n3A_276 : i32
        %or3A = arith.constant false
        %or3A_279 = arith.ori %or3A, %ne3A_277 : i1
        %or3A_280 = arith.constant false
        %or3A_281 = arith.ori %or3A_279, %or3A_280 : i1
        %or3A_282 = arith.ori %or3A_281, %ne3A_278 : i1
        %ge3A = arith.constant 199 : i32
        %ge3A_283 = arith.cmpi sge, %scan3A_159, %ge3A : i32
        %not3A = arith.constant true
        %not3A_284 = arith.xori %ge3A_283, %not3A : i1
        %and3A_285 = arith.andi %or3A_282, %not3A_284 : i1
        %convert_element_type3A = arith.extui %and3A_285 : i1 to i32
        %cond3A = arith.constant 0 : i32
        %cond3A_286 = arith.cmpi ne, %convert_element_type3A, %cond3A : i32
        scf.if %cond3A_286 {
          "tpu.trace_start"() <{level = 10 : i32, message = "ep_copy_in"}> : () -> ()
          %rem3A_815 = arith.constant 2 : i32
          %rem3A_816 = arith.remui %scan3A_160, %rem3A_815 : i32
          %jit3A_817 = arith.constant 32 : i32
          %div3A_818 = arith.divsi %add3A_187, %jit3A_817 : i32
          %sign3A_819 = arith.constant 0 : i32
          %sign3A_820 = arith.cmpi sgt, %add3A_187, %sign3A_819 : i32
          %sign3A_821 = arith.extui %sign3A_820 : i1 to i32
          %sign3A_822 = arith.constant 0 : i32
          %sign3A_823 = arith.cmpi slt, %add3A_187, %sign3A_822 : i32
          %sign3A_824 = arith.extui %sign3A_823 : i1 to i32
          %sign3A_825 = arith.subi %sign3A_821, %sign3A_824 : i32
          %sign3A_826 = arith.constant 0 : i32
          %sign3A_827 = arith.cmpi sgt, %jit3A_817, %sign3A_826 : i32
          %sign3A_828 = arith.extui %sign3A_827 : i1 to i32
          %sign3A_829 = arith.constant 0 : i32
          %sign3A_830 = arith.cmpi slt, %jit3A_817, %sign3A_829 : i32
          %sign3A_831 = arith.extui %sign3A_830 : i1 to i32
          %sign3A_832 = arith.subi %sign3A_828, %sign3A_831 : i32
          %ne3A_833 = arith.cmpi ne, %sign3A_825, %sign3A_832 : i32
          %rem3A_834 = arith.remsi %add3A_187, %jit3A_817 : i32
          %ne3A_835 = arith.constant 0 : i32
          %ne3A_836 = arith.cmpi ne, %rem3A_834, %ne3A_835 : i32
          %and3A_837 = arith.andi %ne3A_833, %ne3A_836 : i1
          %sub3A_838 = arith.constant 1 : i32
          %sub3A_839 = arith.subi %div3A_818, %sub3A_838 : i32
          %select_n3A_840 = arith.select %and3A_837, %sub3A_839, %div3A_818 : i32
          %jit3A_841 = arith.constant 32 : i32
          %eq3A_842 = arith.constant 0 : i32
          %eq3A_843 = arith.cmpi eq, %jit3A_841, %eq3A_842 : i32
          %jit3A_844 = arith.constant 1 : i32
          %select_n3A_845 = arith.select %eq3A_843, %jit3A_844, %jit3A_841 : i32
          %rem3A_846 = arith.remsi %add3A_187, %select_n3A_845 : i32
          %ne3A_847 = arith.constant 0 : i32
          %ne3A_848 = arith.cmpi ne, %rem3A_846, %ne3A_847 : i32
          %lt3A_849 = arith.constant 0 : i32
          %lt3A_850 = arith.cmpi slt, %rem3A_846, %lt3A_849 : i32
          %lt3A_851 = arith.constant 0 : i32
          %lt3A_852 = arith.cmpi slt, %select_n3A_845, %lt3A_851 : i32
          %ne3A_853 = arith.xori %lt3A_850, %lt3A_852 : i1
          %and3A_854 = arith.andi %ne3A_853, %ne3A_848 : i1
          %add3A_855 = arith.addi %rem3A_846, %select_n3A_845 : i32
          %select_n3A_856 = arith.select %and3A_854, %add3A_855, %rem3A_846 : i32
          %mul3A_857 = arith.constant 1 : i32
          %mul3A_858 = arith.muli %mul3A_857, %select_n3A_840 : i32
          %mul3A_859 = arith.constant 64 : i32
          %mul3A_860 = arith.muli %mul3A_859, %select_n3A_856 : i32
          %dma_start3A_861 = arith.constant 0 : i32
          %dma_start3A_862 = arith.constant 0 : i32
          %dma_start3A_863 = arith.constant 0 : i32
          %dma_start3A_864 = tpu.memref_slice %run_scoped3A[%rem3A_816, %dma_start3A_861, %dma_start3A_862, %dma_start3A_863] : memref<2x1x2x64xi32, #tpu.memory_space<vmem>> -> memref<1x1x2x64xi32, #tpu.memory_space<vmem>>
          %dma_start3A_865 = tpu.memref_squeeze %dma_start3A_864 : memref<1x1x2x64xi32, #tpu.memory_space<vmem>> -> memref<1x2x64xi32, #tpu.memory_space<vmem>>
          %dma_start3A_866 = arith.constant 0 : i32
          %dma_start3A_867 = tpu.memref_slice %arg3[%mul3A_858, %dma_start3A_866, %mul3A_860] : memref<200x2x2048xi32, #tpu.memory_space<hbm>> -> memref<1x2x64xi32, #tpu.memory_space<hbm>>
          %dma_start3A_868 = tpu.memref_slice %run_scoped3A_7[%rem3A_816] : memref<2x!tpu.dma_semaphore, #tpu.memory_space<semaphore_mem>> -> memref<1x!tpu.dma_semaphore, #tpu.memory_space<semaphore_mem>>
          %dma_start3A_869 = tpu.memref_squeeze %dma_start3A_868 : memref<1x!tpu.dma_semaphore, #tpu.memory_space<semaphore_mem>> -> memref<!tpu.dma_semaphore, #tpu.memory_space<semaphore_mem>>
          %dma_start3A_870 = arith.constant 0 : i32
          %dma_start3A_871 = arith.constant 0 : i32
          %dma_start3A_872 = arith.constant 0 : i32
          %dma_start3A_873 = tpu.memref_slice %run_scoped3A[%rem3A_816, %dma_start3A_870, %dma_start3A_871, %dma_start3A_872] : memref<2x1x2x64xi32, #tpu.memory_space<vmem>> -> memref<1x1x2x64xi32, #tpu.memory_space<vmem>>
          %dma_start3A_874 = tpu.memref_squeeze %dma_start3A_873 : memref<1x1x2x64xi32, #tpu.memory_space<vmem>> -> memref<1x2x64xi32, #tpu.memory_space<vmem>>
          %dma_start3A_875 = arith.constant 0 : i32
          %dma_start3A_876 = tpu.memref_slice %arg3[%mul3A_858, %dma_start3A_875, %mul3A_860] : memref<200x2x2048xi32, #tpu.memory_space<hbm>> -> memref<1x2x64xi32, #tpu.memory_space<hbm>>
          tpu.enqueue_dma source(%dma_start3A_876 : memref<1x2x64xi32, #tpu.memory_space<hbm>>) target(%dma_start3A_874 : memref<1x2x64xi32, #tpu.memory_space<vmem>>) target_semaphore(%dma_start3A_869 : memref<!tpu.dma_semaphore, #tpu.memory_space<semaphore_mem>>)
          "tpu.trace_stop"() : () -> ()
        } else {
        }
        %and3A_287 = arith.constant true
        %and3A_288 = arith.andi %and3A_285, %and3A_287 : i1
        %add3A_289 = arith.constant 1 : i32
        %add3A_290 = arith.addi %scan3A_160, %add3A_289 : i32
        %select_n3A_291 = arith.select %and3A_288, %add3A_290, %scan3A_160 : i32
        %ne3A_292 = arith.cmpi ne, %add3A_169, %add3A_187 : i32
        %or3A_293 = arith.constant false
        %or3A_294 = arith.ori %or3A_293, %ne3A_292 : i1
        %or3A_295 = arith.constant false
        %or3A_296 = arith.ori %or3A_294, %or3A_295 : i1
        %ge3A_297 = arith.constant 199 : i32
        %ge3A_298 = arith.cmpi sge, %scan3A_159, %ge3A_297 : i32
        %not3A_299 = arith.constant true
        %not3A_300 = arith.xori %ge3A_298, %not3A_299 : i1
        %and3A_301 = arith.andi %or3A_296, %not3A_300 : i1
        %jit3A_302 = arith.constant 32 : i32
        %div3A_303 = arith.divsi %add3A_169, %jit3A_302 : i32
        %sign3A_304 = arith.constant 0 : i32
        %sign3A_305 = arith.cmpi sgt, %add3A_169, %sign3A_304 : i32
        %sign3A_306 = arith.extui %sign3A_305 : i1 to i32
        %sign3A_307 = arith.constant 0 : i32
        %sign3A_308 = arith.cmpi slt, %add3A_169, %sign3A_307 : i32
        %sign3A_309 = arith.extui %sign3A_308 : i1 to i32
        %sign3A_310 = arith.subi %sign3A_306, %sign3A_309 : i32
        %sign3A_311 = arith.constant 0 : i32
        %sign3A_312 = arith.cmpi sgt, %jit3A_302, %sign3A_311 : i32
        %sign3A_313 = arith.extui %sign3A_312 : i1 to i32
        %sign3A_314 = arith.constant 0 : i32
        %sign3A_315 = arith.cmpi slt, %jit3A_302, %sign3A_314 : i32
        %sign3A_316 = arith.extui %sign3A_315 : i1 to i32
        %sign3A_317 = arith.subi %sign3A_313, %sign3A_316 : i32
        %ne3A_318 = arith.cmpi ne, %sign3A_310, %sign3A_317 : i32
        %rem3A_319 = arith.remsi %add3A_169, %jit3A_302 : i32
        %ne3A_320 = arith.constant 0 : i32
        %ne3A_321 = arith.cmpi ne, %rem3A_319, %ne3A_320 : i32
        %and3A_322 = arith.andi %ne3A_318, %ne3A_321 : i1
        %sub3A_323 = arith.constant 1 : i32
        %sub3A_324 = arith.subi %div3A_303, %sub3A_323 : i32
        %select_n3A_325 = arith.select %and3A_322, %sub3A_324, %div3A_303 : i32
        %jit3A_326 = arith.constant 32 : i32
        %eq3A_327 = arith.constant 0 : i32
        %eq3A_328 = arith.cmpi eq, %jit3A_326, %eq3A_327 : i32
        %jit3A_329 = arith.constant 1 : i32
        %select_n3A_330 = arith.select %eq3A_328, %jit3A_329, %jit3A_326 : i32
        %rem3A_331 = arith.remsi %add3A_169, %select_n3A_330 : i32
        %ne3A_332 = arith.constant 0 : i32
        %ne3A_333 = arith.cmpi ne, %rem3A_331, %ne3A_332 : i32
        %lt3A_334 = arith.constant 0 : i32
        %lt3A_335 = arith.cmpi slt, %rem3A_331, %lt3A_334 : i32
        %lt3A_336 = arith.constant 0 : i32
        %lt3A_337 = arith.cmpi slt, %select_n3A_330, %lt3A_336 : i32
        %ne3A_338 = arith.xori %lt3A_335, %lt3A_337 : i1
        %and3A_339 = arith.andi %ne3A_338, %ne3A_333 : i1
        %add3A_340 = arith.addi %rem3A_331, %select_n3A_330 : i32
        %select_n3A_341 = arith.select %and3A_339, %add3A_340, %rem3A_331 : i32
        %jit3A_342 = arith.constant 32 : i32
        %div3A_343 = arith.divsi %add3A_178, %jit3A_342 : i32
        %sign3A_344 = arith.constant 0 : i32
        %sign3A_345 = arith.cmpi sgt, %add3A_178, %sign3A_344 : i32
        %sign3A_346 = arith.extui %sign3A_345 : i1 to i32
        %sign3A_347 = arith.constant 0 : i32
        %sign3A_348 = arith.cmpi slt, %add3A_178, %sign3A_347 : i32
        %sign3A_349 = arith.extui %sign3A_348 : i1 to i32
        %sign3A_350 = arith.subi %sign3A_346, %sign3A_349 : i32
        %sign3A_351 = arith.constant 0 : i32
        %sign3A_352 = arith.cmpi sgt, %jit3A_342, %sign3A_351 : i32
        %sign3A_353 = arith.extui %sign3A_352 : i1 to i32
        %sign3A_354 = arith.constant 0 : i32
        %sign3A_355 = arith.cmpi slt, %jit3A_342, %sign3A_354 : i32
        %sign3A_356 = arith.extui %sign3A_355 : i1 to i32
        %sign3A_357 = arith.subi %sign3A_353, %sign3A_356 : i32
        %ne3A_358 = arith.cmpi ne, %sign3A_350, %sign3A_357 : i32
        %rem3A_359 = arith.remsi %add3A_178, %jit3A_342 : i32
        %ne3A_360 = arith.constant 0 : i32
        %ne3A_361 = arith.cmpi ne, %rem3A_359, %ne3A_360 : i32
        %and3A_362 = arith.andi %ne3A_358, %ne3A_361 : i1
        %sub3A_363 = arith.constant 1 : i32
        %sub3A_364 = arith.subi %div3A_343, %sub3A_363 : i32
        %select_n3A_365 = arith.select %and3A_362, %sub3A_364, %div3A_343 : i32
        %jit3A_366 = arith.constant 32 : i32
        %eq3A_367 = arith.constant 0 : i32
        %eq3A_368 = arith.cmpi eq, %jit3A_366, %eq3A_367 : i32
        %jit3A_369 = arith.constant 1 : i32
        %select_n3A_370 = arith.select %eq3A_368, %jit3A_369, %jit3A_366 : i32
        %rem3A_371 = arith.remsi %add3A_178, %select_n3A_370 : i32
        %ne3A_372 = arith.constant 0 : i32
        %ne3A_373 = arith.cmpi ne, %rem3A_371, %ne3A_372 : i32
        %lt3A_374 = arith.constant 0 : i32
        %lt3A_375 = arith.cmpi slt, %rem3A_371, %lt3A_374 : i32
        %lt3A_376 = arith.constant 0 : i32
        %lt3A_377 = arith.cmpi slt, %select_n3A_370, %lt3A_376 : i32
        %ne3A_378 = arith.xori %lt3A_375, %lt3A_377 : i1
        %and3A_379 = arith.andi %ne3A_378, %ne3A_373 : i1
        %add3A_380 = arith.addi %rem3A_371, %select_n3A_370 : i32
        %select_n3A_381 = arith.select %and3A_379, %add3A_380, %rem3A_371 : i32
        %ne3A_382 = arith.cmpi ne, %select_n3A_325, %select_n3A_365 : i32
        %ne3A_383 = arith.cmpi ne, %select_n3A_341, %select_n3A_381 : i32
        %or3A_384 = arith.constant false
        %or3A_385 = arith.ori %or3A_384, %ne3A_382 : i1
        %or3A_386 = arith.constant false
        %or3A_387 = arith.ori %or3A_385, %or3A_386 : i1
        %or3A_388 = arith.ori %or3A_387, %ne3A_383 : i1
        %or3A_389 = arith.ori %or3A_388, %eq3A_166 : i1
        %convert_element_type3A_390 = arith.extui %or3A_389 : i1 to i32
        %cond3A_391 = arith.constant 0 : i32
        %cond3A_392 = arith.cmpi ne, %convert_element_type3A_390, %cond3A_391 : i32
        scf.if %cond3A_392 {
          %jit3A_815 = arith.constant 32 : i32
          "tpu.trace_start"() <{level = 10 : i32, message = "ep_wait_in"}> : () -> ()
          %div3A_816 = arith.divsi %add3A_169, %jit3A_815 : i32
          %sign3A_817 = arith.constant 0 : i32
          %sign3A_818 = arith.cmpi sgt, %add3A_169, %sign3A_817 : i32
          %sign3A_819 = arith.extui %sign3A_818 : i1 to i32
          %sign3A_820 = arith.constant 0 : i32
          %sign3A_821 = arith.cmpi slt, %add3A_169, %sign3A_820 : i32
          %sign3A_822 = arith.extui %sign3A_821 : i1 to i32
          %sign3A_823 = arith.subi %sign3A_819, %sign3A_822 : i32
          %sign3A_824 = arith.constant 0 : i32
          %sign3A_825 = arith.cmpi sgt, %jit3A_815, %sign3A_824 : i32
          %sign3A_826 = arith.extui %sign3A_825 : i1 to i32
          %sign3A_827 = arith.constant 0 : i32
          %sign3A_828 = arith.cmpi slt, %jit3A_815, %sign3A_827 : i32
          %sign3A_829 = arith.extui %sign3A_828 : i1 to i32
          %sign3A_830 = arith.subi %sign3A_826, %sign3A_829 : i32
          %ne3A_831 = arith.cmpi ne, %sign3A_823, %sign3A_830 : i32
          %rem3A_832 = arith.remsi %add3A_169, %jit3A_815 : i32
          %ne3A_833 = arith.constant 0 : i32
          %ne3A_834 = arith.cmpi ne, %rem3A_832, %ne3A_833 : i32
          %and3A_835 = arith.andi %ne3A_831, %ne3A_834 : i1
          %sub3A_836 = arith.constant 1 : i32
          %sub3A_837 = arith.subi %div3A_816, %sub3A_836 : i32
          %select_n3A_838 = arith.select %and3A_835, %sub3A_837, %div3A_816 : i32
          %jit3A_839 = arith.constant 32 : i32
          %eq3A_840 = arith.constant 0 : i32
          %eq3A_841 = arith.cmpi eq, %jit3A_839, %eq3A_840 : i32
          %jit3A_842 = arith.constant 1 : i32
          %select_n3A_843 = arith.select %eq3A_841, %jit3A_842, %jit3A_839 : i32
          %rem3A_844 = arith.remsi %add3A_169, %select_n3A_843 : i32
          %ne3A_845 = arith.constant 0 : i32
          %ne3A_846 = arith.cmpi ne, %rem3A_844, %ne3A_845 : i32
          %lt3A_847 = arith.constant 0 : i32
          %lt3A_848 = arith.cmpi slt, %rem3A_844, %lt3A_847 : i32
          %lt3A_849 = arith.constant 0 : i32
          %lt3A_850 = arith.cmpi slt, %select_n3A_843, %lt3A_849 : i32
          %ne3A_851 = arith.xori %lt3A_848, %lt3A_850 : i1
          %and3A_852 = arith.andi %ne3A_851, %ne3A_846 : i1
          %add3A_853 = arith.addi %rem3A_844, %select_n3A_843 : i32
          %select_n3A_854 = arith.select %and3A_852, %add3A_853, %rem3A_844 : i32
          %mul3A_855 = arith.constant 1 : i32
          %mul3A_856 = arith.muli %mul3A_855, %select_n3A_838 : i32
          %mul3A_857 = arith.constant 64 : i32
          %mul3A_858 = arith.muli %mul3A_857, %select_n3A_854 : i32
          %rem3A_859 = arith.constant 2 : i32
          %rem3A_860 = arith.remui %scan3A_161, %rem3A_859 : i32
          %dma_wait3A_861 = arith.constant 0 : i32
          %dma_wait3A_862 = arith.constant 0 : i32
          %dma_wait3A_863 = arith.constant 0 : i32
          %dma_wait3A_864 = tpu.memref_slice %run_scoped3A[%rem3A_860, %dma_wait3A_861, %dma_wait3A_862, %dma_wait3A_863] : memref<2x1x2x64xi32, #tpu.memory_space<vmem>> -> memref<1x1x2x64xi32, #tpu.memory_space<vmem>>
          %dma_wait3A_865 = tpu.memref_squeeze %dma_wait3A_864 : memref<1x1x2x64xi32, #tpu.memory_space<vmem>> -> memref<1x2x64xi32, #tpu.memory_space<vmem>>
          %dma_wait3A_866 = arith.constant 0 : i32
          %dma_wait3A_867 = tpu.memref_slice %arg3[%mul3A_856, %dma_wait3A_866, %mul3A_858] : memref<200x2x2048xi32, #tpu.memory_space<hbm>> -> memref<1x2x64xi32, #tpu.memory_space<hbm>>
          %dma_wait3A_868 = tpu.memref_slice %run_scoped3A_7[%rem3A_860] : memref<2x!tpu.dma_semaphore, #tpu.memory_space<semaphore_mem>> -> memref<1x!tpu.dma_semaphore, #tpu.memory_space<semaphore_mem>>
          %dma_wait3A_869 = tpu.memref_squeeze %dma_wait3A_868 : memref<1x!tpu.dma_semaphore, #tpu.memory_space<semaphore_mem>> -> memref<!tpu.dma_semaphore, #tpu.memory_space<semaphore_mem>>
          %dma_wait3A_870 = arith.constant 0 : i32
          %dma_wait3A_871 = arith.constant 0 : i32
          %dma_wait3A_872 = arith.constant 0 : i32
          %dma_wait3A_873 = tpu.memref_slice %run_scoped3A[%rem3A_860, %dma_wait3A_870, %dma_wait3A_871, %dma_wait3A_872] : memref<2x1x2x64xi32, #tpu.memory_space<vmem>> -> memref<1x1x2x64xi32, #tpu.memory_space<vmem>>
          %dma_wait3A_874 = tpu.memref_squeeze %dma_wait3A_873 : memref<1x1x2x64xi32, #tpu.memory_space<vmem>> -> memref<1x2x64xi32, #tpu.memory_space<vmem>>
          %dma_wait3A_875 = arith.constant 0 : i32
          %dma_wait3A_876 = tpu.memref_slice %arg3[%mul3A_856, %dma_wait3A_875, %mul3A_858] : memref<200x2x2048xi32, #tpu.memory_space<hbm>> -> memref<1x2x64xi32, #tpu.memory_space<hbm>>
          tpu.wait_dma2 semaphore(%dma_wait3A_869 : memref<!tpu.dma_semaphore, #tpu.memory_space<semaphore_mem>>) src(%dma_wait3A_876 : memref<1x2x64xi32, #tpu.memory_space<hbm>>) dst(%dma_wait3A_874 : memref<1x2x64xi32, #tpu.memory_space<vmem>>)
          "tpu.trace_stop"() : () -> ()
        } else {
        }
        %ne3A_393 = arith.cmpi ne, %add3A_169, %add3A_178 : i32
        %or3A_394 = arith.constant false
        %or3A_395 = arith.ori %or3A_394, %ne3A_393 : i1
        %or3A_396 = arith.constant false
        %or3A_397 = arith.ori %or3A_395, %or3A_396 : i1
        %or3A_398 = arith.ori %or3A_397, %eq3A_166 : i1
        %convert_element_type3A_399 = arith.extui %or3A_398 : i1 to i32
        %cond3A_400 = arith.constant 0 : i32
        %cond3A_401 = arith.cmpi ne, %convert_element_type3A_399, %cond3A_400 : i32
        scf.if %cond3A_401 {
        } else {
        }
        %rem3A_402 = arith.constant 2 : i32
        %rem3A_403 = arith.remui %scan3A_161, %rem3A_402 : i32
        %rem3A_404 = arith.constant 2 : i32
        %rem3A_405 = arith.remui %scan3A_162, %rem3A_404 : i32
        "tpu.trace_start"() <{level = 10 : i32, message = "ep_run_kernel"}> : () -> ()
        %iota3A = tpu.iota {dimensions = array<i32: 0>} : vector<16xi32>
        %broadcast_in_dim3A = arith.constant 0 : i32
        %broadcast_in_dim3A_406 = vector.broadcast %broadcast_in_dim3A : i32 to vector<16xi32>
        %rem3A_407 = arith.constant 2 : i32
        %rem3A_408 = vector.broadcast %rem3A_407 : i32 to vector<16xi32>
        %rem3A_409 = arith.remsi %iota3A, %rem3A_408 : vector<16xi32>
        %shift_right_logical3A = arith.constant 1 : i32
        %shift_right_logical3A_410 = vector.broadcast %shift_right_logical3A : i32 to vector<16xi32>
        %shift_right_logical3A_411 = arith.shrui %iota3A, %shift_right_logical3A_410 : vector<16xi32>
        %add3A_412 = arith.constant 0 : i32
        %add3A_413 = vector.broadcast %add3A_412 : i32 to vector<16xi32>
        %add3A_414 = arith.addi %shift_right_logical3A_411, %add3A_413 : vector<16xi32>
        %gather3A = arith.constant 0 : i32
        %gather3A_415 = arith.constant 0 : i32
        %gather3A_416 = arith.constant 0 : i32
        %gather3A_417 = tpu.memref_slice %run_scoped3A[%rem3A_403, %gather3A, %gather3A_415, %gather3A_416] : memref<2x1x2x64xi32, #tpu.memory_space<vmem>> -> memref<1x1x2x64xi32, #tpu.memory_space<vmem>>
        %gather3A_418 = tpu.memref_squeeze %gather3A_417 : memref<1x1x2x64xi32, #tpu.memory_space<vmem>> -> memref<1x2x64xi32, #tpu.memory_space<vmem>>
        %gather3A_419 = tpu.vector_load_idx %gather3A_418[%broadcast_in_dim3A_406, %rem3A_409, %add3A_414] : memref<1x2x64xi32, #tpu.memory_space<vmem>>[vector<16xi32>, vector<16xi32>, vector<16xi32>], vector<16xi32>,
        %swap3A = arith.constant 0 : index
        %swap3A_420 = tpu.vector_load %arg5[%swap3A] {strides = array<i32>} : memref<128xi32, #tpu.memory_space<vmem>>, vector<16xi32>,
        tpu.vector_store %arg5[%swap3A], %gather3A_419 {strides = array<i32>} : memref<128xi32, #tpu.memory_space<vmem>>, vector<16xi32>,
        %add3A_421 = arith.constant 8 : i32
        %add3A_422 = vector.broadcast %add3A_421 : i32 to vector<16xi32>
        %add3A_423 = arith.addi %shift_right_logical3A_411, %add3A_422 : vector<16xi32>
        %gather3A_424 = arith.constant 0 : i32
        %gather3A_425 = arith.constant 0 : i32
        %gather3A_426 = arith.constant 0 : i32
        %gather3A_427 = tpu.memref_slice %run_scoped3A[%rem3A_403, %gather3A_424, %gather3A_425, %gather3A_426] : memref<2x1x2x64xi32, #tpu.memory_space<vmem>> -> memref<1x1x2x64xi32, #tpu.memory_space<vmem>>
        %gather3A_428 = tpu.memref_squeeze %gather3A_427 : memref<1x1x2x64xi32, #tpu.memory_space<vmem>> -> memref<1x2x64xi32, #tpu.memory_space<vmem>>
        %gather3A_429 = tpu.vector_load_idx %gather3A_428[%broadcast_in_dim3A_406, %rem3A_409, %add3A_423] : memref<1x2x64xi32, #tpu.memory_space<vmem>>[vector<16xi32>, vector<16xi32>, vector<16xi32>], vector<16xi32>,
        %swap3A_430 = arith.constant 16 : index
        %swap3A_431 = tpu.vector_load %arg5[%swap3A_430] {strides = array<i32>} : memref<128xi32, #tpu.memory_space<vmem>>, vector<16xi32>,
        tpu.vector_store %arg5[%swap3A_430], %gather3A_429 {strides = array<i32>} : memref<128xi32, #tpu.memory_space<vmem>>, vector<16xi32>,
        %add3A_432 = arith.constant 16 : i32
        %add3A_433 = vector.broadcast %add3A_432 : i32 to vector<16xi32>
        %add3A_434 = arith.addi %shift_right_logical3A_411, %add3A_433 : vector<16xi32>
        %gather3A_435 = arith.constant 0 : i32
        %gather3A_436 = arith.constant 0 : i32
        %gather3A_437 = arith.constant 0 : i32
        %gather3A_438 = tpu.memref_slice %run_scoped3A[%rem3A_403, %gather3A_435, %gather3A_436, %gather3A_437] : memref<2x1x2x64xi32, #tpu.memory_space<vmem>> -> memref<1x1x2x64xi32, #tpu.memory_space<vmem>>
        %gather3A_439 = tpu.memref_squeeze %gather3A_438 : memref<1x1x2x64xi32, #tpu.memory_space<vmem>> -> memref<1x2x64xi32, #tpu.memory_space<vmem>>
        %gather3A_440 = tpu.vector_load_idx %gather3A_439[%broadcast_in_dim3A_406, %rem3A_409, %add3A_434] : memref<1x2x64xi32, #tpu.memory_space<vmem>>[vector<16xi32>, vector<16xi32>, vector<16xi32>], vector<16xi32>,
        %swap3A_441 = arith.constant 32 : index
        %swap3A_442 = tpu.vector_load %arg5[%swap3A_441] {strides = array<i32>} : memref<128xi32, #tpu.memory_space<vmem>>, vector<16xi32>,
        tpu.vector_store %arg5[%swap3A_441], %gather3A_440 {strides = array<i32>} : memref<128xi32, #tpu.memory_space<vmem>>, vector<16xi32>,
        %add3A_443 = arith.constant 24 : i32
        %add3A_444 = vector.broadcast %add3A_443 : i32 to vector<16xi32>
        %add3A_445 = arith.addi %shift_right_logical3A_411, %add3A_444 : vector<16xi32>
        %gather3A_446 = arith.constant 0 : i32
        %gather3A_447 = arith.constant 0 : i32
        %gather3A_448 = arith.constant 0 : i32
        %gather3A_449 = tpu.memref_slice %run_scoped3A[%rem3A_403, %gather3A_446, %gather3A_447, %gather3A_448] : memref<2x1x2x64xi32, #tpu.memory_space<vmem>> -> memref<1x1x2x64xi32, #tpu.memory_space<vmem>>
        %gather3A_450 = tpu.memref_squeeze %gather3A_449 : memref<1x1x2x64xi32, #tpu.memory_space<vmem>> -> memref<1x2x64xi32, #tpu.memory_space<vmem>>
        %gather3A_451 = tpu.vector_load_idx %gather3A_450[%broadcast_in_dim3A_406, %rem3A_409, %add3A_445] : memref<1x2x64xi32, #tpu.memory_space<vmem>>[vector<16xi32>, vector<16xi32>, vector<16xi32>], vector<16xi32>,
        %swap3A_452 = arith.constant 48 : index
        %swap3A_453 = tpu.vector_load %arg5[%swap3A_452] {strides = array<i32>} : memref<128xi32, #tpu.memory_space<vmem>>, vector<16xi32>,
        tpu.vector_store %arg5[%swap3A_452], %gather3A_451 {strides = array<i32>} : memref<128xi32, #tpu.memory_space<vmem>>, vector<16xi32>,
        %add3A_454 = arith.constant 32 : i32
        %add3A_455 = vector.broadcast %add3A_454 : i32 to vector<16xi32>
        %add3A_456 = arith.addi %shift_right_logical3A_411, %add3A_455 : vector<16xi32>
        %gather3A_457 = arith.constant 0 : i32
        %gather3A_458 = arith.constant 0 : i32
        %gather3A_459 = arith.constant 0 : i32
        %gather3A_460 = tpu.memref_slice %run_scoped3A[%rem3A_403, %gather3A_457, %gather3A_458, %gather3A_459] : memref<2x1x2x64xi32, #tpu.memory_space<vmem>> -> memref<1x1x2x64xi32, #tpu.memory_space<vmem>>
        %gather3A_461 = tpu.memref_squeeze %gather3A_460 : memref<1x1x2x64xi32, #tpu.memory_space<vmem>> -> memref<1x2x64xi32, #tpu.memory_space<vmem>>
        %gather3A_462 = tpu.vector_load_idx %gather3A_461[%broadcast_in_dim3A_406, %rem3A_409, %add3A_456] : memref<1x2x64xi32, #tpu.memory_space<vmem>>[vector<16xi32>, vector<16xi32>, vector<16xi32>], vector<16xi32>,
        %swap3A_463 = arith.constant 64 : index
        %swap3A_464 = tpu.vector_load %arg5[%swap3A_463] {strides = array<i32>} : memref<128xi32, #tpu.memory_space<vmem>>, vector<16xi32>,
        tpu.vector_store %arg5[%swap3A_463], %gather3A_462 {strides = array<i32>} : memref<128xi32, #tpu.memory_space<vmem>>, vector<16xi32>,
        %add3A_465 = arith.constant 40 : i32
        %add3A_466 = vector.broadcast %add3A_465 : i32 to vector<16xi32>
        %add3A_467 = arith.addi %shift_right_logical3A_411, %add3A_466 : vector<16xi32>
        %gather3A_468 = arith.constant 0 : i32
        %gather3A_469 = arith.constant 0 : i32
        %gather3A_470 = arith.constant 0 : i32
        %gather3A_471 = tpu.memref_slice %run_scoped3A[%rem3A_403, %gather3A_468, %gather3A_469, %gather3A_470] : memref<2x1x2x64xi32, #tpu.memory_space<vmem>> -> memref<1x1x2x64xi32, #tpu.memory_space<vmem>>
        %gather3A_472 = tpu.memref_squeeze %gather3A_471 : memref<1x1x2x64xi32, #tpu.memory_space<vmem>> -> memref<1x2x64xi32, #tpu.memory_space<vmem>>
        %gather3A_473 = tpu.vector_load_idx %gather3A_472[%broadcast_in_dim3A_406, %rem3A_409, %add3A_467] : memref<1x2x64xi32, #tpu.memory_space<vmem>>[vector<16xi32>, vector<16xi32>, vector<16xi32>], vector<16xi32>,
        %swap3A_474 = arith.constant 80 : index
        %swap3A_475 = tpu.vector_load %arg5[%swap3A_474] {strides = array<i32>} : memref<128xi32, #tpu.memory_space<vmem>>, vector<16xi32>,
        tpu.vector_store %arg5[%swap3A_474], %gather3A_473 {strides = array<i32>} : memref<128xi32, #tpu.memory_space<vmem>>, vector<16xi32>,
        %add3A_476 = arith.constant 48 : i32
        %add3A_477 = vector.broadcast %add3A_476 : i32 to vector<16xi32>
        %add3A_478 = arith.addi %shift_right_logical3A_411, %add3A_477 : vector<16xi32>
        %gather3A_479 = arith.constant 0 : i32
        %gather3A_480 = arith.constant 0 : i32
        %gather3A_481 = arith.constant 0 : i32
        %gather3A_482 = tpu.memref_slice %run_scoped3A[%rem3A_403, %gather3A_479, %gather3A_480, %gather3A_481] : memref<2x1x2x64xi32, #tpu.memory_space<vmem>> -> memref<1x1x2x64xi32, #tpu.memory_space<vmem>>
        %gather3A_483 = tpu.memref_squeeze %gather3A_482 : memref<1x1x2x64xi32, #tpu.memory_space<vmem>> -> memref<1x2x64xi32, #tpu.memory_space<vmem>>
        %gather3A_484 = tpu.vector_load_idx %gather3A_483[%broadcast_in_dim3A_406, %rem3A_409, %add3A_478] : memref<1x2x64xi32, #tpu.memory_space<vmem>>[vector<16xi32>, vector<16xi32>, vector<16xi32>], vector<16xi32>,
        %swap3A_485 = arith.constant 96 : index
        %swap3A_486 = tpu.vector_load %arg5[%swap3A_485] {strides = array<i32>} : memref<128xi32, #tpu.memory_space<vmem>>, vector<16xi32>,
        tpu.vector_store %arg5[%swap3A_485], %gather3A_484 {strides = array<i32>} : memref<128xi32, #tpu.memory_space<vmem>>, vector<16xi32>,
        %add3A_487 = arith.constant 56 : i32
        %add3A_488 = vector.broadcast %add3A_487 : i32 to vector<16xi32>
        %add3A_489 = arith.addi %shift_right_logical3A_411, %add3A_488 : vector<16xi32>
        %gather3A_490 = arith.constant 0 : i32
        %gather3A_491 = arith.constant 0 : i32
        %gather3A_492 = arith.constant 0 : i32
        %gather3A_493 = tpu.memref_slice %run_scoped3A[%rem3A_403, %gather3A_490, %gather3A_491, %gather3A_492] : memref<2x1x2x64xi32, #tpu.memory_space<vmem>> -> memref<1x1x2x64xi32, #tpu.memory_space<vmem>>
        %gather3A_494 = tpu.memref_squeeze %gather3A_493 : memref<1x1x2x64xi32, #tpu.memory_space<vmem>> -> memref<1x2x64xi32, #tpu.memory_space<vmem>>
        %gather3A_495 = tpu.vector_load_idx %gather3A_494[%broadcast_in_dim3A_406, %rem3A_409, %add3A_489] : memref<1x2x64xi32, #tpu.memory_space<vmem>>[vector<16xi32>, vector<16xi32>, vector<16xi32>], vector<16xi32>,
        %swap3A_496 = arith.constant 112 : index
        %swap3A_497 = tpu.vector_load %arg5[%swap3A_496] {strides = array<i32>} : memref<128xi32, #tpu.memory_space<vmem>>, vector<16xi32>,
        tpu.vector_store %arg5[%swap3A_496], %gather3A_495 {strides = array<i32>} : memref<128xi32, #tpu.memory_space<vmem>>, vector<16xi32>,
        "tpu.region"() ({
          %run_scoped3A_815 = tpu.sem_alloc : memref<!tpu.dma_semaphore, #tpu.memory_space<semaphore_mem>>
          %dma_start3A_816 = arith.constant 0 : i32
          %dma_start3A_817 = arith.constant 0 : i32
          %dma_start3A_818 = tpu.memref_slice %run_scoped3A_8[%rem3A_405, %dma_start3A_816, %dma_start3A_817] : memref<2x128x64xf32, #tpu.memory_space<vmem>> -> memref<1x128x64xf32, #tpu.memory_space<vmem>>
          %dma_start3A_819 = tpu.memref_squeeze %dma_start3A_818 : memref<1x128x64xf32, #tpu.memory_space<vmem>> -> memref<128x64xf32, #tpu.memory_space<vmem>>
          %dma_start3A_820 = arith.constant 0 : i32
          %dma_start3A_821 = arith.constant 0 : i32
          %dma_start3A_822 = tpu.memref_slice %arg2[%dma_start3A_820, %dma_start3A_821] : memref<1000000x64xf32, #tpu.memory_space<hbm>> -> memref<1000000x64xf32, #tpu.memory_space<hbm>>
          tpu.enqueue_indirect_dma source(%dma_start3A_822 : memref<1000000x64xf32, #tpu.memory_space<hbm>>) target(%dma_start3A_819 : memref<128x64xf32, #tpu.memory_space<vmem>>) offsets(%arg5 : memref<128xi32, #tpu.memory_space<vmem>>) semaphore(%run_scoped3A_815 : memref<!tpu.dma_semaphore, #tpu.memory_space<semaphore_mem>>)
          %dma_wait3A_823 = arith.constant 0 : i32
          %dma_wait3A_824 = arith.constant 0 : i32
          %dma_wait3A_825 = tpu.memref_slice %run_scoped3A_8[%rem3A_405, %dma_wait3A_823, %dma_wait3A_824] : memref<2x128x64xf32, #tpu.memory_space<vmem>> -> memref<1x128x64xf32, #tpu.memory_space<vmem>>
          %dma_wait3A_826 = tpu.memref_squeeze %dma_wait3A_825 : memref<1x128x64xf32, #tpu.memory_space<vmem>> -> memref<128x64xf32, #tpu.memory_space<vmem>>
          %dma_wait3A_827 = arith.constant 0 : i32
          %dma_wait3A_828 = arith.constant 0 : i32
          %dma_wait3A_829 = tpu.memref_slice %arg2[%dma_wait3A_827, %dma_wait3A_828] : memref<1000000x64xf32, #tpu.memory_space<hbm>> -> memref<1000000x64xf32, #tpu.memory_space<hbm>>
          tpu.wait_indirect_dma semaphore(%run_scoped3A_815 : memref<!tpu.dma_semaphore, #tpu.memory_space<semaphore_mem>>) src(%dma_wait3A_829 : memref<1000000x64xf32, #tpu.memory_space<hbm>>) dst(%dma_wait3A_826 : memref<128x64xf32, #tpu.memory_space<vmem>>)
          tpu.yield
        }) : () -> ()
        %jit3A_498 = arith.constant 32 : i32
        "tpu.trace_stop"() : () -> ()
        %div3A_499 = arith.divsi %add3A_169, %jit3A_498 : i32
        %sign3A_500 = arith.constant 0 : i32
        %sign3A_501 = arith.cmpi sgt, %add3A_169, %sign3A_500 : i32
        %sign3A_502 = arith.extui %sign3A_501 : i1 to i32
        %sign3A_503 = arith.constant 0 : i32
        %sign3A_504 = arith.cmpi slt, %add3A_169, %sign3A_503 : i32
        %sign3A_505 = arith.extui %sign3A_504 : i1 to i32
        %sign3A_506 = arith.subi %sign3A_502, %sign3A_505 : i32
        %sign3A_507 = arith.constant 0 : i32
        %sign3A_508 = arith.cmpi sgt, %jit3A_498, %sign3A_507 : i32
        %sign3A_509 = arith.extui %sign3A_508 : i1 to i32
        %sign3A_510 = arith.constant 0 : i32
        %sign3A_511 = arith.cmpi slt, %jit3A_498, %sign3A_510 : i32
        %sign3A_512 = arith.extui %sign3A_511 : i1 to i32
        %sign3A_513 = arith.subi %sign3A_509, %sign3A_512 : i32
        %ne3A_514 = arith.cmpi ne, %sign3A_506, %sign3A_513 : i32
        %rem3A_515 = arith.remsi %add3A_169, %jit3A_498 : i32
        %ne3A_516 = arith.constant 0 : i32
        %ne3A_517 = arith.cmpi ne, %rem3A_515, %ne3A_516 : i32
        %and3A_518 = arith.andi %ne3A_514, %ne3A_517 : i1
        %sub3A_519 = arith.constant 1 : i32
        %sub3A_520 = arith.subi %div3A_499, %sub3A_519 : i32
        %select_n3A_521 = arith.select %and3A_518, %sub3A_520, %div3A_499 : i32
        %jit3A_522 = arith.constant 32 : i32
        %eq3A_523 = arith.constant 0 : i32
        %eq3A_524 = arith.cmpi eq, %jit3A_522, %eq3A_523 : i32
        %jit3A_525 = arith.constant 1 : i32
        %select_n3A_526 = arith.select %eq3A_524, %jit3A_525, %jit3A_522 : i32
        %rem3A_527 = arith.remsi %add3A_169, %select_n3A_526 : i32
        %ne3A_528 = arith.constant 0 : i32
        %ne3A_529 = arith.cmpi ne, %rem3A_527, %ne3A_528 : i32
        %lt3A_530 = arith.constant 0 : i32
        %lt3A_531 = arith.cmpi slt, %rem3A_527, %lt3A_530 : i32
        %lt3A_532 = arith.constant 0 : i32
        %lt3A_533 = arith.cmpi slt, %select_n3A_526, %lt3A_532 : i32
        %ne3A_534 = arith.xori %lt3A_531, %lt3A_533 : i1
        %and3A_535 = arith.andi %ne3A_534, %ne3A_529 : i1
        %add3A_536 = arith.addi %rem3A_527, %select_n3A_526 : i32
        %select_n3A_537 = arith.select %and3A_535, %add3A_536, %rem3A_527 : i32
        %jit3A_538 = arith.constant 32 : i32
        %div3A_539 = arith.divsi %add3A_187, %jit3A_538 : i32
        %sign3A_540 = arith.constant 0 : i32
        %sign3A_541 = arith.cmpi sgt, %add3A_187, %sign3A_540 : i32
        %sign3A_542 = arith.extui %sign3A_541 : i1 to i32
        %sign3A_543 = arith.constant 0 : i32
        %sign3A_544 = arith.cmpi slt, %add3A_187, %sign3A_543 : i32
        %sign3A_545 = arith.extui %sign3A_544 : i1 to i32
        %sign3A_546 = arith.subi %sign3A_542, %sign3A_545 : i32
        %sign3A_547 = arith.constant 0 : i32
        %sign3A_548 = arith.cmpi sgt, %jit3A_538, %sign3A_547 : i32
        %sign3A_549 = arith.extui %sign3A_548 : i1 to i32
        %sign3A_550 = arith.constant 0 : i32
        %sign3A_551 = arith.cmpi slt, %jit3A_538, %sign3A_550 : i32
        %sign3A_552 = arith.extui %sign3A_551 : i1 to i32
        %sign3A_553 = arith.subi %sign3A_549, %sign3A_552 : i32
        %ne3A_554 = arith.cmpi ne, %sign3A_546, %sign3A_553 : i32
        %rem3A_555 = arith.remsi %add3A_187, %jit3A_538 : i32
        %ne3A_556 = arith.constant 0 : i32
        %ne3A_557 = arith.cmpi ne, %rem3A_555, %ne3A_556 : i32
        %and3A_558 = arith.andi %ne3A_554, %ne3A_557 : i1
        %sub3A_559 = arith.constant 1 : i32
        %sub3A_560 = arith.subi %div3A_539, %sub3A_559 : i32
        %select_n3A_561 = arith.select %and3A_558, %sub3A_560, %div3A_539 : i32
        %jit3A_562 = arith.constant 32 : i32
        %eq3A_563 = arith.constant 0 : i32
        %eq3A_564 = arith.cmpi eq, %jit3A_562, %eq3A_563 : i32
        %jit3A_565 = arith.constant 1 : i32
        %select_n3A_566 = arith.select %eq3A_564, %jit3A_565, %jit3A_562 : i32
        %rem3A_567 = arith.remsi %add3A_187, %select_n3A_566 : i32
        %ne3A_568 = arith.constant 0 : i32
        %ne3A_569 = arith.cmpi ne, %rem3A_567, %ne3A_568 : i32
        %lt3A_570 = arith.constant 0 : i32
        %lt3A_571 = arith.cmpi slt, %rem3A_567, %lt3A_570 : i32
        %lt3A_572 = arith.constant 0 : i32
        %lt3A_573 = arith.cmpi slt, %select_n3A_566, %lt3A_572 : i32
        %ne3A_574 = arith.xori %lt3A_571, %lt3A_573 : i1
        %and3A_575 = arith.andi %ne3A_574, %ne3A_569 : i1
        %add3A_576 = arith.addi %rem3A_567, %select_n3A_566 : i32
        %select_n3A_577 = arith.select %and3A_575, %add3A_576, %rem3A_567 : i32
        %ne3A_578 = arith.cmpi ne, %select_n3A_521, %select_n3A_561 : i32
        %ne3A_579 = arith.cmpi ne, %select_n3A_537, %select_n3A_577 : i32
        %or3A_580 = arith.constant false
        %or3A_581 = arith.ori %or3A_580, %ne3A_578 : i1
        %or3A_582 = arith.constant false
        %or3A_583 = arith.ori %or3A_581, %or3A_582 : i1
        %or3A_584 = arith.ori %or3A_583, %ne3A_579 : i1
        %or3A_585 = arith.ori %or3A_584, %eq3A_168 : i1
        %convert_element_type3A_586 = arith.extui %or3A_585 : i1 to i32
        %cond3A_587 = arith.constant 0 : i32
        %cond3A_588 = arith.cmpi ne, %convert_element_type3A_586, %cond3A_587 : i32
        scf.if %cond3A_588 {
        } else {
        }
        %and3A_589 = arith.constant false
        %and3A_590 = arith.andi %or3A_585, %and3A_589 : i1
        %ne3A_591 = arith.cmpi ne, %add3A_169, %add3A_187 : i32
        %or3A_592 = arith.constant false
        %or3A_593 = arith.ori %or3A_592, %ne3A_591 : i1
        %or3A_594 = arith.constant false
        %or3A_595 = arith.ori %or3A_593, %or3A_594 : i1
        %or3A_596 = arith.ori %or3A_595, %eq3A_168 : i1
        %convert_element_type3A_597 = arith.extui %or3A_596 : i1 to i32
        %cond3A_598 = arith.constant 0 : i32
        %cond3A_599 = arith.cmpi ne, %convert_element_type3A_597, %cond3A_598 : i32
        scf.if %cond3A_599 {
          "tpu.trace_start"() <{level = 10 : i32, message = "ep_copy_out"}> : () -> ()
          %rem3A_815 = arith.constant 2 : i32
          %rem3A_816 = arith.remui %scan3A_162, %rem3A_815 : i32
          %mul3A_817 = arith.constant 128 : i32
          %mul3A_818 = arith.muli %mul3A_817, %add3A_169 : i32
          %dma_start3A_819 = arith.constant 0 : i32
          %dma_start3A_820 = arith.constant 0 : i32
          %dma_start3A_821 = tpu.memref_slice %run_scoped3A_8[%rem3A_816, %dma_start3A_819, %dma_start3A_820] : memref<2x128x64xf32, #tpu.memory_space<vmem>> -> memref<1x128x64xf32, #tpu.memory_space<vmem>>
          %dma_start3A_822 = tpu.memref_squeeze %dma_start3A_821 : memref<1x128x64xf32, #tpu.memory_space<vmem>> -> memref<128x64xf32, #tpu.memory_space<vmem>>
          %dma_start3A_823 = arith.constant 0 : i32
          %dma_start3A_824 = tpu.memref_slice %arg4[%mul3A_818, %dma_start3A_823] : memref<819200x64xf32, #tpu.memory_space<hbm>> -> memref<128x64xf32, #tpu.memory_space<hbm>>
          %dma_start3A_825 = tpu.memref_slice %run_scoped3A_9[%rem3A_816] : memref<2x!tpu.dma_semaphore, #tpu.memory_space<semaphore_mem>> -> memref<1x!tpu.dma_semaphore, #tpu.memory_space<semaphore_mem>>
          %dma_start3A_826 = tpu.memref_squeeze %dma_start3A_825 : memref<1x!tpu.dma_semaphore, #tpu.memory_space<semaphore_mem>> -> memref<!tpu.dma_semaphore, #tpu.memory_space<semaphore_mem>>
          %dma_start3A_827 = arith.constant 0 : i32
          %dma_start3A_828 = tpu.memref_slice %arg4[%mul3A_818, %dma_start3A_827] : memref<819200x64xf32, #tpu.memory_space<hbm>> -> memref<128x64xf32, #tpu.memory_space<hbm>>
          %dma_start3A_829 = arith.constant 0 : i32
          %dma_start3A_830 = arith.constant 0 : i32
          %dma_start3A_831 = tpu.memref_slice %run_scoped3A_8[%rem3A_816, %dma_start3A_829, %dma_start3A_830] : memref<2x128x64xf32, #tpu.memory_space<vmem>> -> memref<1x128x64xf32, #tpu.memory_space<vmem>>
          %dma_start3A_832 = tpu.memref_squeeze %dma_start3A_831 : memref<1x128x64xf32, #tpu.memory_space<vmem>> -> memref<128x64xf32, #tpu.memory_space<vmem>>
          tpu.enqueue_dma source(%dma_start3A_832 : memref<128x64xf32, #tpu.memory_space<vmem>>) target(%dma_start3A_828 : memref<128x64xf32, #tpu.memory_space<hbm>>) target_semaphore(%dma_start3A_826 : memref<!tpu.dma_semaphore, #tpu.memory_space<semaphore_mem>>)
          "tpu.trace_stop"() : () -> ()
        } else {
        }
        %and3A_600 = arith.constant true
        %and3A_601 = arith.andi %or3A_596, %and3A_600 : i1
        %add3A_602 = arith.constant 1 : i32
        %add3A_603 = arith.addi %scan3A_162, %add3A_602 : i32
        %select_n3A_604 = arith.select %and3A_601, %add3A_603, %scan3A_162 : i32
        %jit3A_605 = arith.constant 32 : i32
        %div3A_606 = arith.divsi %add3A_169, %jit3A_605 : i32
        %sign3A_607 = arith.constant 0 : i32
        %sign3A_608 = arith.cmpi sgt, %add3A_169, %sign3A_607 : i32
        %sign3A_609 = arith.extui %sign3A_608 : i1 to i32
        %sign3A_610 = arith.constant 0 : i32
        %sign3A_611 = arith.cmpi slt, %add3A_169, %sign3A_610 : i32
        %sign3A_612 = arith.extui %sign3A_611 : i1 to i32
        %sign3A_613 = arith.subi %sign3A_609, %sign3A_612 : i32
        %sign3A_614 = arith.constant 0 : i32
        %sign3A_615 = arith.cmpi sgt, %jit3A_605, %sign3A_614 : i32
        %sign3A_616 = arith.extui %sign3A_615 : i1 to i32
        %sign3A_617 = arith.constant 0 : i32
        %sign3A_618 = arith.cmpi slt, %jit3A_605, %sign3A_617 : i32
        %sign3A_619 = arith.extui %sign3A_618 : i1 to i32
        %sign3A_620 = arith.subi %sign3A_616, %sign3A_619 : i32
        %ne3A_621 = arith.cmpi ne, %sign3A_613, %sign3A_620 : i32
        %rem3A_622 = arith.remsi %add3A_169, %jit3A_605 : i32
        %ne3A_623 = arith.constant 0 : i32
        %ne3A_624 = arith.cmpi ne, %rem3A_622, %ne3A_623 : i32
        %and3A_625 = arith.andi %ne3A_621, %ne3A_624 : i1
        %sub3A_626 = arith.constant 1 : i32
        %sub3A_627 = arith.subi %div3A_606, %sub3A_626 : i32
        %select_n3A_628 = arith.select %and3A_625, %sub3A_627, %div3A_606 : i32
        %jit3A_629 = arith.constant 32 : i32
        %eq3A_630 = arith.constant 0 : i32
        %eq3A_631 = arith.cmpi eq, %jit3A_629, %eq3A_630 : i32
        %jit3A_632 = arith.constant 1 : i32
        %select_n3A_633 = arith.select %eq3A_631, %jit3A_632, %jit3A_629 : i32
        %rem3A_634 = arith.remsi %add3A_169, %select_n3A_633 : i32
        %ne3A_635 = arith.constant 0 : i32
        %ne3A_636 = arith.cmpi ne, %rem3A_634, %ne3A_635 : i32
        %lt3A_637 = arith.constant 0 : i32
        %lt3A_638 = arith.cmpi slt, %rem3A_634, %lt3A_637 : i32
        %lt3A_639 = arith.constant 0 : i32
        %lt3A_640 = arith.cmpi slt, %select_n3A_633, %lt3A_639 : i32
        %ne3A_641 = arith.xori %lt3A_638, %lt3A_640 : i1
        %and3A_642 = arith.andi %ne3A_641, %ne3A_636 : i1
        %add3A_643 = arith.addi %rem3A_634, %select_n3A_633 : i32
        %select_n3A_644 = arith.select %and3A_642, %add3A_643, %rem3A_634 : i32
        %jit3A_645 = arith.constant 32 : i32
        %div3A_646 = arith.divsi %add3A_178, %jit3A_645 : i32
        %sign3A_647 = arith.constant 0 : i32
        %sign3A_648 = arith.cmpi sgt, %add3A_178, %sign3A_647 : i32
        %sign3A_649 = arith.extui %sign3A_648 : i1 to i32
        %sign3A_650 = arith.constant 0 : i32
        %sign3A_651 = arith.cmpi slt, %add3A_178, %sign3A_650 : i32
        %sign3A_652 = arith.extui %sign3A_651 : i1 to i32
        %sign3A_653 = arith.subi %sign3A_649, %sign3A_652 : i32
        %sign3A_654 = arith.constant 0 : i32
        %sign3A_655 = arith.cmpi sgt, %jit3A_645, %sign3A_654 : i32
        %sign3A_656 = arith.extui %sign3A_655 : i1 to i32
        %sign3A_657 = arith.constant 0 : i32
        %sign3A_658 = arith.cmpi slt, %jit3A_645, %sign3A_657 : i32
        %sign3A_659 = arith.extui %sign3A_658 : i1 to i32
        %sign3A_660 = arith.subi %sign3A_656, %sign3A_659 : i32
        %ne3A_661 = arith.cmpi ne, %sign3A_653, %sign3A_660 : i32
        %rem3A_662 = arith.remsi %add3A_178, %jit3A_645 : i32
        %ne3A_663 = arith.constant 0 : i32
        %ne3A_664 = arith.cmpi ne, %rem3A_662, %ne3A_663 : i32
        %and3A_665 = arith.andi %ne3A_661, %ne3A_664 : i1
        %sub3A_666 = arith.constant 1 : i32
        %sub3A_667 = arith.subi %div3A_646, %sub3A_666 : i32
        %select_n3A_668 = arith.select %and3A_665, %sub3A_667, %div3A_646 : i32
        %jit3A_669 = arith.constant 32 : i32
        %eq3A_670 = arith.constant 0 : i32
        %eq3A_671 = arith.cmpi eq, %jit3A_669, %eq3A_670 : i32
        %jit3A_672 = arith.constant 1 : i32
        %select_n3A_673 = arith.select %eq3A_671, %jit3A_672, %jit3A_669 : i32
        %rem3A_674 = arith.remsi %add3A_178, %select_n3A_673 : i32
        %ne3A_675 = arith.constant 0 : i32
        %ne3A_676 = arith.cmpi ne, %rem3A_674, %ne3A_675 : i32
        %lt3A_677 = arith.constant 0 : i32
        %lt3A_678 = arith.cmpi slt, %rem3A_674, %lt3A_677 : i32
        %lt3A_679 = arith.constant 0 : i32
        %lt3A_680 = arith.cmpi slt, %select_n3A_673, %lt3A_679 : i32
        %ne3A_681 = arith.xori %lt3A_678, %lt3A_680 : i1
        %and3A_682 = arith.andi %ne3A_681, %ne3A_676 : i1
        %add3A_683 = arith.addi %rem3A_674, %select_n3A_673 : i32
        %select_n3A_684 = arith.select %and3A_682, %add3A_683, %rem3A_674 : i32
        %ne3A_685 = arith.cmpi ne, %select_n3A_628, %select_n3A_668 : i32
        %ne3A_686 = arith.cmpi ne, %select_n3A_644, %select_n3A_684 : i32
        %or3A_687 = arith.constant false
        %or3A_688 = arith.ori %or3A_687, %ne3A_685 : i1
        %or3A_689 = arith.constant false
        %or3A_690 = arith.ori %or3A_688, %or3A_689 : i1
        %or3A_691 = arith.ori %or3A_690, %ne3A_686 : i1
        %not3A_692 = arith.constant true
        %not3A_693 = arith.xori %eq3A_166, %not3A_692 : i1
        %and3A_694 = arith.andi %or3A_691, %not3A_693 : i1
        %convert_element_type3A_695 = arith.extui %and3A_694 : i1 to i32
        %cond3A_696 = arith.constant 0 : i32
        %cond3A_697 = arith.cmpi ne, %convert_element_type3A_695, %cond3A_696 : i32
        scf.if %cond3A_697 {
        } else {
        }
        %and3A_698 = arith.constant false
        %and3A_699 = arith.andi %and3A_694, %and3A_698 : i1
        %ne3A_700 = arith.cmpi ne, %add3A_169, %add3A_178 : i32
        %or3A_701 = arith.constant false
        %or3A_702 = arith.ori %or3A_701, %ne3A_700 : i1
        %or3A_703 = arith.constant false
        %or3A_704 = arith.ori %or3A_702, %or3A_703 : i1
        %not3A_705 = arith.constant true
        %not3A_706 = arith.xori %eq3A_166, %not3A_705 : i1
        %and3A_707 = arith.andi %or3A_704, %not3A_706 : i1
        %convert_element_type3A_708 = arith.extui %and3A_707 : i1 to i32
        %cond3A_709 = arith.constant 0 : i32
        %cond3A_710 = arith.cmpi ne, %convert_element_type3A_708, %cond3A_709 : i32
        scf.if %cond3A_710 {
          "tpu.trace_start"() <{level = 10 : i32, message = "ep_wait_out"}> : () -> ()
          %rem3A_815 = arith.constant 2 : i32
          %rem3A_816 = arith.remui %scan3A_163, %rem3A_815 : i32
          %mul3A_817 = arith.constant 128 : i32
          %mul3A_818 = arith.muli %mul3A_817, %add3A_178 : i32
          %dma_wait3A_819 = arith.constant 0 : i32
          %dma_wait3A_820 = arith.constant 0 : i32
          %dma_wait3A_821 = tpu.memref_slice %run_scoped3A_8[%rem3A_816, %dma_wait3A_819, %dma_wait3A_820] : memref<2x128x64xf32, #tpu.memory_space<vmem>> -> memref<1x128x64xf32, #tpu.memory_space<vmem>>
          %dma_wait3A_822 = tpu.memref_squeeze %dma_wait3A_821 : memref<1x128x64xf32, #tpu.memory_space<vmem>> -> memref<128x64xf32, #tpu.memory_space<vmem>>
          %dma_wait3A_823 = arith.constant 0 : i32
          %dma_wait3A_824 = tpu.memref_slice %arg4[%mul3A_818, %dma_wait3A_823] : memref<819200x64xf32, #tpu.memory_space<hbm>> -> memref<128x64xf32, #tpu.memory_space<hbm>>
          %dma_wait3A_825 = tpu.memref_slice %run_scoped3A_9[%rem3A_816] : memref<2x!tpu.dma_semaphore, #tpu.memory_space<semaphore_mem>> -> memref<1x!tpu.dma_semaphore, #tpu.memory_space<semaphore_mem>>
          %dma_wait3A_826 = tpu.memref_squeeze %dma_wait3A_825 : memref<1x!tpu.dma_semaphore, #tpu.memory_space<semaphore_mem>> -> memref<!tpu.dma_semaphore, #tpu.memory_space<semaphore_mem>>
          %dma_wait3A_827 = arith.constant 0 : i32
          %dma_wait3A_828 = tpu.memref_slice %arg4[%mul3A_818, %dma_wait3A_827] : memref<819200x64xf32, #tpu.memory_space<hbm>> -> memref<128x64xf32, #tpu.memory_space<hbm>>
          %dma_wait3A_829 = arith.constant 0 : i32
          %dma_wait3A_830 = arith.constant 0 : i32
          %dma_wait3A_831 = tpu.memref_slice %run_scoped3A_8[%rem3A_816, %dma_wait3A_829, %dma_wait3A_830] : memref<2x128x64xf32, #tpu.memory_space<vmem>> -> memref<1x128x64xf32, #tpu.memory_space<vmem>>
          %dma_wait3A_832 = tpu.memref_squeeze %dma_wait3A_831 : memref<1x128x64xf32, #tpu.memory_space<vmem>> -> memref<128x64xf32, #tpu.memory_space<vmem>>
          tpu.wait_dma2 semaphore(%dma_wait3A_826 : memref<!tpu.dma_semaphore, #tpu.memory_space<semaphore_mem>>) src(%dma_wait3A_832 : memref<128x64xf32, #tpu.memory_space<vmem>>) dst(%dma_wait3A_828 : memref<128x64xf32, #tpu.memory_space<hbm>>)
          "tpu.trace_stop"() : () -> ()
        } else {
        }
        %and3A_711 = arith.constant true
        %and3A_712 = arith.andi %and3A_707, %and3A_711 : i1
        %add3A_713 = arith.constant 1 : i32
        %add3A_714 = arith.addi %scan3A_163, %add3A_713 : i32
        %select_n3A_715 = arith.select %and3A_712, %add3A_714, %scan3A_163 : i32
        %jit3A_716 = arith.constant 32 : i32
        %div3A_717 = arith.divsi %add3A_169, %jit3A_716 : i32
        %sign3A_718 = arith.constant 0 : i32
        %sign3A_719 = arith.cmpi sgt, %add3A_169, %sign3A_718 : i32
        %sign3A_720 = arith.extui %sign3A_719 : i1 to i32
        %sign3A_721 = arith.constant 0 : i32
        %sign3A_722 = arith.cmpi slt, %add3A_169, %sign3A_721 : i32
        %sign3A_723 = arith.extui %sign3A_722 : i1 to i32
        %sign3A_724 = arith.subi %sign3A_720, %sign3A_723 : i32
        %sign3A_725 = arith.constant 0 : i32
        %sign3A_726 = arith.cmpi sgt, %jit3A_716, %sign3A_725 : i32
        %sign3A_727 = arith.extui %sign3A_726 : i1 to i32
        %sign3A_728 = arith.constant 0 : i32
        %sign3A_729 = arith.cmpi slt, %jit3A_716, %sign3A_728 : i32
        %sign3A_730 = arith.extui %sign3A_729 : i1 to i32
        %sign3A_731 = arith.subi %sign3A_727, %sign3A_730 : i32
        %ne3A_732 = arith.cmpi ne, %sign3A_724, %sign3A_731 : i32
        %rem3A_733 = arith.remsi %add3A_169, %jit3A_716 : i32
        %ne3A_734 = arith.constant 0 : i32
        %ne3A_735 = arith.cmpi ne, %rem3A_733, %ne3A_734 : i32
        %and3A_736 = arith.andi %ne3A_732, %ne3A_735 : i1
        %sub3A_737 = arith.constant 1 : i32
        %sub3A_738 = arith.subi %div3A_717, %sub3A_737 : i32
        %select_n3A_739 = arith.select %and3A_736, %sub3A_738, %div3A_717 : i32
        %jit3A_740 = arith.constant 32 : i32
        %eq3A_741 = arith.constant 0 : i32
        %eq3A_742 = arith.cmpi eq, %jit3A_740, %eq3A_741 : i32
        %jit3A_743 = arith.constant 1 : i32
        %select_n3A_744 = arith.select %eq3A_742, %jit3A_743, %jit3A_740 : i32
        %rem3A_745 = arith.remsi %add3A_169, %select_n3A_744 : i32
        %ne3A_746 = arith.constant 0 : i32
        %ne3A_747 = arith.cmpi ne, %rem3A_745, %ne3A_746 : i32
        %lt3A_748 = arith.constant 0 : i32
        %lt3A_749 = arith.cmpi slt, %rem3A_745, %lt3A_748 : i32
        %lt3A_750 = arith.constant 0 : i32
        %lt3A_751 = arith.cmpi slt, %select_n3A_744, %lt3A_750 : i32
        %ne3A_752 = arith.xori %lt3A_749, %lt3A_751 : i1
        %and3A_753 = arith.andi %ne3A_752, %ne3A_747 : i1
        %add3A_754 = arith.addi %rem3A_745, %select_n3A_744 : i32
        %select_n3A_755 = arith.select %and3A_753, %add3A_754, %rem3A_745 : i32
        %jit3A_756 = arith.constant 32 : i32
        %div3A_757 = arith.divsi %add3A_187, %jit3A_756 : i32
        %sign3A_758 = arith.constant 0 : i32
        %sign3A_759 = arith.cmpi sgt, %add3A_187, %sign3A_758 : i32
        %sign3A_760 = arith.extui %sign3A_759 : i1 to i32
        %sign3A_761 = arith.constant 0 : i32
        %sign3A_762 = arith.cmpi slt, %add3A_187, %sign3A_761 : i32
        %sign3A_763 = arith.extui %sign3A_762 : i1 to i32
        %sign3A_764 = arith.subi %sign3A_760, %sign3A_763 : i32
        %sign3A_765 = arith.constant 0 : i32
        %sign3A_766 = arith.cmpi sgt, %jit3A_756, %sign3A_765 : i32
        %sign3A_767 = arith.extui %sign3A_766 : i1 to i32
        %sign3A_768 = arith.constant 0 : i32
        %sign3A_769 = arith.cmpi slt, %jit3A_756, %sign3A_768 : i32
        %sign3A_770 = arith.extui %sign3A_769 : i1 to i32
        %sign3A_771 = arith.subi %sign3A_767, %sign3A_770 : i32
        %ne3A_772 = arith.cmpi ne, %sign3A_764, %sign3A_771 : i32
        %rem3A_773 = arith.remsi %add3A_187, %jit3A_756 : i32
        %ne3A_774 = arith.constant 0 : i32
        %ne3A_775 = arith.cmpi ne, %rem3A_773, %ne3A_774 : i32
        %and3A_776 = arith.andi %ne3A_772, %ne3A_775 : i1
        %sub3A_777 = arith.constant 1 : i32
        %sub3A_778 = arith.subi %div3A_757, %sub3A_777 : i32
        %select_n3A_779 = arith.select %and3A_776, %sub3A_778, %div3A_757 : i32
        %jit3A_780 = arith.constant 32 : i32
        %eq3A_781 = arith.constant 0 : i32
        %eq3A_782 = arith.cmpi eq, %jit3A_780, %eq3A_781 : i32
        %jit3A_783 = arith.constant 1 : i32
        %select_n3A_784 = arith.select %eq3A_782, %jit3A_783, %jit3A_780 : i32
        %rem3A_785 = arith.remsi %add3A_187, %select_n3A_784 : i32
        %ne3A_786 = arith.constant 0 : i32
        %ne3A_787 = arith.cmpi ne, %rem3A_785, %ne3A_786 : i32
        %lt3A_788 = arith.constant 0 : i32
        %lt3A_789 = arith.cmpi slt, %rem3A_785, %lt3A_788 : i32
        %lt3A_790 = arith.constant 0 : i32
        %lt3A_791 = arith.cmpi slt, %select_n3A_784, %lt3A_790 : i32
        %ne3A_792 = arith.xori %lt3A_789, %lt3A_791 : i1
        %and3A_793 = arith.andi %ne3A_792, %ne3A_787 : i1
        %add3A_794 = arith.addi %rem3A_785, %select_n3A_784 : i32
        %select_n3A_795 = arith.select %and3A_793, %add3A_794, %rem3A_785 : i32
        %ne3A_796 = arith.cmpi ne, %select_n3A_739, %select_n3A_779 : i32
        %ne3A_797 = arith.cmpi ne, %select_n3A_755, %select_n3A_795 : i32
        %or3A_798 = arith.constant false
        %or3A_799 = arith.ori %or3A_798, %ne3A_796 : i1
        %or3A_800 = arith.constant false
        %or3A_801 = arith.ori %or3A_799, %or3A_800 : i1
        %or3A_802 = arith.ori %or3A_801, %ne3A_797 : i1
        %or3A_803 = arith.ori %or3A_802, %eq3A_168 : i1
        %add3A_804 = arith.constant 1 : i32
        %add3A_805 = arith.addi %scan3A_161, %add3A_804 : i32
        %select_n3A_806 = arith.select %or3A_803, %add3A_805, %scan3A_161 : i32
        %add3A_807 = arith.constant 1 : i32
        %add3A_808 = arith.addi %scan3A_164, %add3A_807 : i32
        %select_n3A_809 = arith.constant true
        %select_n3A_810 = arith.select %select_n3A_809, %add3A_808, %scan3A_164 : i32
        %eq3A_811 = arith.constant 200 : i32
        %eq3A_812 = arith.cmpi eq, %select_n3A_810, %eq3A_811 : i32
        %select_n3A_813 = arith.constant 0 : i32
        %select_n3A_814 = arith.select %eq3A_812, %select_n3A_813, %select_n3A_810 : i32
        scf.yield %select_n3A_291, %select_n3A_806, %select_n3A_604, %select_n3A_715, %select_n3A_814 : i32, i32, i32, i32, i32
      }
      %scan3A_105 = arith.constant 200 : i32
      %sub3A_106 = arith.constant 1 : i32
      %sub3A_107 = arith.subi %scan3A_104#4, %sub3A_106 : i32
      %select_n3A_108 = arith.constant true
      %select_n3A_109 = arith.select %select_n3A_108, %sub3A_107, %scan3A_104#4 : i32
      %eq3A_110 = arith.constant -1 : i32
      %eq3A_111 = arith.cmpi eq, %select_n3A_109, %eq3A_110 : i32
      %select_n3A_112 = arith.constant 199 : i32
      %select_n3A_113 = arith.select %eq3A_111, %select_n3A_112, %select_n3A_109 : i32
      %add3A_114 = arith.addi %select_n3A_113, %mul3A_6 : i32
      %sub3A_115 = arith.constant 1 : i32
      %sub3A_116 = arith.subi %select_n3A_113, %sub3A_115 : i32
      %select_n3A_117 = arith.constant true
      %select_n3A_118 = arith.select %select_n3A_117, %sub3A_116, %select_n3A_113 : i32
      %eq3A_119 = arith.constant -1 : i32
      %eq3A_120 = arith.cmpi eq, %select_n3A_118, %eq3A_119 : i32
      %select_n3A_121 = arith.constant 199 : i32
      %select_n3A_122 = arith.select %eq3A_120, %select_n3A_121, %select_n3A_118 : i32
      %add3A_123 = arith.addi %select_n3A_122, %mul3A_6 : i32
      %add3A_124 = arith.constant 1 : i32
      %add3A_125 = arith.addi %select_n3A_113, %add3A_124 : i32
      %select_n3A_126 = arith.constant true
      %select_n3A_127 = arith.select %select_n3A_126, %add3A_125, %select_n3A_113 : i32
      %eq3A_128 = arith.constant 200 : i32
      %eq3A_129 = arith.cmpi eq, %select_n3A_127, %eq3A_128 : i32
      %select_n3A_130 = arith.constant 0 : i32
      %select_n3A_131 = arith.select %eq3A_129, %select_n3A_130, %select_n3A_127 : i32
      %add3A_132 = arith.addi %select_n3A_131, %mul3A_6 : i32
      %add3A_133 = arith.constant 1 : i32
      %add3A_134 = arith.addi %select_n3A_131, %add3A_133 : i32
      %select_n3A_135 = arith.constant true
      %select_n3A_136 = arith.select %select_n3A_135, %add3A_134, %select_n3A_131 : i32
      %eq3A_137 = arith.constant 200 : i32
      %eq3A_138 = arith.cmpi eq, %select_n3A_136, %eq3A_137 : i32
      %select_n3A_139 = arith.constant 0 : i32
      %select_n3A_140 = arith.select %eq3A_138, %select_n3A_139, %select_n3A_136 : i32
      %add3A_141 = arith.addi %select_n3A_140, %mul3A_6 : i32
      "tpu.trace_start"() <{level = 10 : i32, message = "ep_finalize"}> : () -> ()
      %rem3A_142 = arith.constant 2 : i32
      %rem3A_143 = arith.remui %scan3A_104#3, %rem3A_142 : i32
      %mul3A_144 = arith.constant 128 : i32
      %mul3A_145 = arith.muli %mul3A_144, %add3A_114 : i32
      %dma_wait3A = arith.constant 0 : i32
      %dma_wait3A_146 = arith.constant 0 : i32
      %dma_wait3A_147 = tpu.memref_slice %run_scoped3A_8[%rem3A_143, %dma_wait3A, %dma_wait3A_146] : memref<2x128x64xf32, #tpu.memory_space<vmem>> -> memref<1x128x64xf32, #tpu.memory_space<vmem>>
      %dma_wait3A_148 = tpu.memref_squeeze %dma_wait3A_147 : memref<1x128x64xf32, #tpu.memory_space<vmem>> -> memref<128x64xf32, #tpu.memory_space<vmem>>
      %dma_wait3A_149 = arith.constant 0 : i32
      %dma_wait3A_150 = tpu.memref_slice %arg4[%mul3A_145, %dma_wait3A_149] : memref<819200x64xf32, #tpu.memory_space<hbm>> -> memref<128x64xf32, #tpu.memory_space<hbm>>
      %dma_wait3A_151 = tpu.memref_slice %run_scoped3A_9[%rem3A_143] : memref<2x!tpu.dma_semaphore, #tpu.memory_space<semaphore_mem>> -> memref<1x!tpu.dma_semaphore, #tpu.memory_space<semaphore_mem>>
      %dma_wait3A_152 = tpu.memref_squeeze %dma_wait3A_151 : memref<1x!tpu.dma_semaphore, #tpu.memory_space<semaphore_mem>> -> memref<!tpu.dma_semaphore, #tpu.memory_space<semaphore_mem>>
      %dma_wait3A_153 = arith.constant 0 : i32
      %dma_wait3A_154 = tpu.memref_slice %arg4[%mul3A_145, %dma_wait3A_153] : memref<819200x64xf32, #tpu.memory_space<hbm>> -> memref<128x64xf32, #tpu.memory_space<hbm>>
      %dma_wait3A_155 = arith.constant 0 : i32
      %dma_wait3A_156 = arith.constant 0 : i32
      %dma_wait3A_157 = tpu.memref_slice %run_scoped3A_8[%rem3A_143, %dma_wait3A_155, %dma_wait3A_156] : memref<2x128x64xf32, #tpu.memory_space<vmem>> -> memref<1x128x64xf32, #tpu.memory_space<vmem>>
      %dma_wait3A_158 = tpu.memref_squeeze %dma_wait3A_157 : memref<1x128x64xf32, #tpu.memory_space<vmem>> -> memref<128x64xf32, #tpu.memory_space<vmem>>
      tpu.wait_dma2 semaphore(%dma_wait3A_152 : memref<!tpu.dma_semaphore, #tpu.memory_space<semaphore_mem>>) src(%dma_wait3A_158 : memref<128x64xf32, #tpu.memory_space<vmem>>) dst(%dma_wait3A_154 : memref<128x64xf32, #tpu.memory_space<hbm>>)
      "tpu.trace_stop"() : () -> ()
      tpu.yield
    }) : () -> ()
    return
  }
}

module attributes {stable_mosaic.version = 14 : i64} {
  func.func @ln_body(%arg0: i32, %arg1: memref<128x2048xf32, #tpu.memory_space<vmem>>, %arg2: memref<64x1xf32, #tpu.memory_space<vmem>>, %arg3: memref<64x1xf32, #tpu.memory_space<vmem>>, %arg4: memref<1x64x4096xf32, #tpu.memory_space<vmem>>) attributes {dimension_semantics = [#tpu.dimension_semantics<arbitrary>], iteration_bounds = array<i64: 200>, scalar_prefetch = 0 : i64, scratch_operands = 0 : i64, tpu.core_type = #tpu.core_type<tc>, window_params = [{transform_indices = @transform_0, window_bounds = array<i64: 128, 2048>}, {pipeline_mode = #tpu.pipeline_mode<synchronous>, transform_indices = @transform_1, window_bounds = array<i64: 64, 1>}, {pipeline_mode = #tpu.pipeline_mode<synchronous>, transform_indices = @transform_2, window_bounds = array<i64: 64, 1>}, {transform_indices = @transform_3, window_bounds = array<i64: 1, 64, 4096>}]} {
    %get3A = arith.constant 0 : index
    %get3A_0 = arith.constant 0 : index
    %get3A_1 = vector.load %arg1[%get3A, %get3A_0] : memref<128x2048xf32, #tpu.memory_space<vmem>>, vector<128x2048xf32>
    %reshape3A = vector.shape_cast %get3A_1 : vector<128x2048xf32> to vector<2x64x2048xf32>
    %reduce_sum3A = arith.constant dense<0.000000e+00> : vector<2x2048xf32>
    %reduce_sum3A_2 = vector.multi_reduction <add>, %reshape3A, %reduce_sum3A [1] : vector<2x64x2048xf32> to vector<2x2048xf32>
    %broadcast_in_dim3A = vector.shape_cast %reduce_sum3A_2 : vector<2x2048xf32> to vector<2x1x2048xf32>
    %mul3A = arith.constant 1.562500e-02 : f32
    %mul3A_3 = vector.broadcast %mul3A : f32 to vector<2x1x2048xf32>
    %mul3A_4 = arith.mulf %broadcast_in_dim3A, %mul3A_3 : vector<2x1x2048xf32>
    %mul3A_5 = arith.mulf %reshape3A, %reshape3A : vector<2x64x2048xf32>
    %reduce_sum3A_6 = arith.constant dense<0.000000e+00> : vector<2x2048xf32>
    %reduce_sum3A_7 = vector.multi_reduction <add>, %mul3A_5, %reduce_sum3A_6 [1] : vector<2x64x2048xf32> to vector<2x2048xf32>
    %broadcast_in_dim3A_8 = vector.shape_cast %reduce_sum3A_7 : vector<2x2048xf32> to vector<2x1x2048xf32>
    %mul3A_9 = arith.constant 1.562500e-02 : f32
    %mul3A_10 = vector.broadcast %mul3A_9 : f32 to vector<2x1x2048xf32>
    %mul3A_11 = arith.mulf %broadcast_in_dim3A_8, %mul3A_10 : vector<2x1x2048xf32>
    %mul3A_12 = arith.mulf %mul3A_4, %mul3A_4 : vector<2x1x2048xf32>
    %sub3A = arith.subf %mul3A_11, %mul3A_12 : vector<2x1x2048xf32>
    %get3A_13 = arith.constant 0 : index
    %get3A_14 = arith.constant 0 : index
    %get3A_15 = vector.load %arg2[%get3A_13, %get3A_14] : memref<64x1xf32, #tpu.memory_space<vmem>>, vector<64x1xf32>
    %reshape3A_16 = vector.shape_cast %get3A_15 : vector<64x1xf32> to vector<1x64x1xf32>
    %get3A_17 = arith.constant 0 : index
    %get3A_18 = arith.constant 0 : index
    %get3A_19 = vector.load %arg3[%get3A_17, %get3A_18] : memref<64x1xf32, #tpu.memory_space<vmem>>, vector<64x1xf32>
    %reshape3A_20 = vector.shape_cast %get3A_19 : vector<64x1xf32> to vector<1x64x1xf32>
    %sub3A_21 = vector.broadcast %mul3A_4 : vector<2x1x2048xf32> to vector<2x64x2048xf32>
    %sub3A_22 = arith.subf %reshape3A, %sub3A_21 : vector<2x64x2048xf32>
    %add3A = arith.constant 9.99999974E-6 : f32
    %add3A_23 = vector.broadcast %add3A : f32 to vector<2x1x2048xf32>
    %add3A_24 = arith.addf %sub3A, %add3A_23 : vector<2x1x2048xf32>
    %rsqrt3A = math.rsqrt %add3A_24 : vector<2x1x2048xf32>
    %mul3A_25 = vector.broadcast %rsqrt3A : vector<2x1x2048xf32> to vector<2x64x2048xf32>
    %mul3A_26 = arith.mulf %sub3A_22, %mul3A_25 : vector<2x64x2048xf32>
    %mul3A_27 = vector.broadcast %reshape3A_16 : vector<1x64x1xf32> to vector<2x64x2048xf32>
    %mul3A_28 = arith.mulf %mul3A_26, %mul3A_27 : vector<2x64x2048xf32>
    %add3A_29 = vector.broadcast %reshape3A_20 : vector<1x64x1xf32> to vector<2x64x2048xf32>
    %add3A_30 = arith.addf %mul3A_28, %add3A_29 : vector<2x64x2048xf32>
    %slice3A = vector.extract_strided_slice %add3A_30 {offsets = [0, 0, 0], sizes = [1, 64, 2048], strides = [1, 1, 1]} : vector<2x64x2048xf32> to vector<1x64x2048xf32>
    %squeeze3A = vector.shape_cast %slice3A : vector<1x64x2048xf32> to vector<64x2048xf32>
    %swap3A = arith.constant 0 : index
    %swap3A_31 = arith.constant 0 : index
    %swap3A_32 = arith.constant 0 : index
    %swap3A_33 = vector.load %arg4[%swap3A, %swap3A_31, %swap3A_32] : memref<1x64x4096xf32, #tpu.memory_space<vmem>>, vector<1x64x2048xf32>
    %swap3A_34 = vector.shape_cast %swap3A_33 : vector<1x64x2048xf32> to vector<64x2048xf32>
    %swap3A_35 = vector.shape_cast %squeeze3A : vector<64x2048xf32> to vector<1x64x2048xf32>
    tpu.vector_store %arg4[%swap3A, %swap3A_31, %swap3A_32], %swap3A_35 {strides = array<i32>} : memref<1x64x4096xf32, #tpu.memory_space<vmem>>, vector<1x64x2048xf32>,
    %slice3A_36 = vector.extract_strided_slice %add3A_30 {offsets = [1, 0, 0], sizes = [1, 64, 2048], strides = [1, 1, 1]} : vector<2x64x2048xf32> to vector<1x64x2048xf32>
    %squeeze3A_37 = vector.shape_cast %slice3A_36 : vector<1x64x2048xf32> to vector<64x2048xf32>
    %swap3A_38 = arith.constant 0 : index
    %swap3A_39 = arith.constant 0 : index
    %swap3A_40 = arith.constant 2048 : index
    %swap3A_41 = vector.load %arg4[%swap3A_38, %swap3A_39, %swap3A_40] : memref<1x64x4096xf32, #tpu.memory_space<vmem>>, vector<1x64x2048xf32>
    %swap3A_42 = vector.shape_cast %swap3A_41 : vector<1x64x2048xf32> to vector<64x2048xf32>
    %swap3A_43 = vector.shape_cast %squeeze3A_37 : vector<64x2048xf32> to vector<1x64x2048xf32>
    tpu.vector_store %arg4[%swap3A_38, %swap3A_39, %swap3A_40], %swap3A_43 {strides = array<i32>} : memref<1x64x4096xf32, #tpu.memory_space<vmem>>, vector<1x64x2048xf32>,
    return
  }
  func.func @transform_0(%arg0: i32) -> (i32, i32) {
    %c0_i32 = arith.constant 0 : i32
    %c0_i32_0 = arith.constant 0 : i32
    return %c0_i32, %arg0 : i32, i32
  }
  func.func @transform_1(%arg0: i32) -> (i32, i32) {
    %c0_i32 = arith.constant 0 : i32
    %c0_i32_0 = arith.constant 0 : i32
    %c0_i32_1 = arith.constant 0 : i32
    return %c0_i32, %c0_i32_0 : i32, i32
  }
  func.func @transform_2(%arg0: i32) -> (i32, i32) {
    %c0_i32 = arith.constant 0 : i32
    %c0_i32_0 = arith.constant 0 : i32
    %c0_i32_1 = arith.constant 0 : i32
    return %c0_i32, %c0_i32_0 : i32, i32
  }
  func.func @transform_3(%arg0: i32) -> (i32, i32, i32) {
    %c0_i32 = arith.constant 0 : i32
    %c0_i32_0 = arith.constant 0 : i32
    %c0_i32_1 = arith.constant 0 : i32
    return %arg0, %c0_i32, %c0_i32_0 : i32, i32, i32
  }
}

</mosaic_0001>

<sc_bundles>
// kernel: kernel.4.cloned.1.call-start
scs
__scs_entry_jumppad:
0x0: {  	(pc) =	sbr.rel $0x88, $3  }
0x1: {  	(tag) =	ssettag $0x0;
	lr =	simm.s32 $0x1  }
0x2: {  	[smem:$0x3F9D] =	sst lr;
	_ =	strace $0xD0000000  }
0x3: {  	_ = 	snop  }
0x4: {  	_ = 	snop  }
0x5: {  	_ = 	snop  }
0x6: {  	_ = 	snop  }
0x7: {  	_ = 	snop  }
__scs_overlays_trampoline_lowered:
0x8: {  	[smem:$0x3FAC] =	sst s0  }
0x9: {  	[smem:$0x3FAD] =	sst s1  }
0xa: {  	[smem:$0x3FAE] =	sst s2  }
0xb: {  	[smem:$0x3FAF] =	sst s3  }
0xc: {  	[smem:$0x3FB0] =	sst s4  }
0xd: {  	[smem:$0x3FB1] =	sst s5  }
0xe: {  	[smem:$0x3FB2] =	sst s6  }
0xf: {  	[smem:$0x3FB3] =	sst s7  }
0x10: {  	[smem:$0x3FB4] =	sst s8  }
0x11: {  	[smem:$0x3FB5] =	sst s9;
	s0 =	simm.s32 @!p0 $0x0  }
0x12: {  	s1 =	sld [smem:$0x3F9B];
	s0 =	simm.s32 @p0 $0x1  }
0x13: {  	[smem:$0x3FB6] =	sst s0;
	s0 =	simm.s32 @!p1 $0x0  }
0x14: {  	s2 =	sld [smem:$0x3F9A];
	s0 =	simm.s32 @p1 $0x1  }
0x15: {  	[smem:$0x3FB7] =	sst s0;
	s0 =	simm.s32 @!p2 $0x0  }
0x16: {  	s3 =	sld [smem:$0x3FDB];
	s0 =	simm.s32 @p2 $0x1  }
0x17: {  	s4 =	simm.s32 $0x1BF5;
	[smem:$0x3FB9] =	sst s0  }
0x18: {  	s0 =	sld [smem:$0x3F9C];
	_ =	swait.ge [sflag:s4], $0x0  }
0x19: {  	s7 =	sld [smem:$0x3F9D]  }
0x1a: {  	s8 =	sadd.s32 $0xFFFFE003, lr  }
0x1b: {  	s9 =	sadd.s32 $0xFFFFFEF7, lr;
	s5 =	simm.s32 $0xFFFFFFFF;
	p2 =	slt.u32 s8, $0xFFFFF086  }
0x1c: {  	p1 =	slt.u32 s9, $0xF7A;
	s5 =	simm.s32 @!p2 $0x0  }
0x1d: {  	s5 =	simm.s32 @p1 $0x1;
	p0 =	seq.s32 s7, s2  }
0x1e: {  	s7 =	smul.u32 @!p0 $0xF7A, s2;
	p2 =	seq.s32 @!p0 s5, $0x0  }
0x1f: {  	s9 =	smul.u32 $0xF7A, s1;
	s8 =	simm.s32 @!p0 $0x1BF5;
	p2 =	por !p2, p0  }
0x20: {  	[sflag:s8] =	ssyncset.s32 @!p0 $0xFFFFF086;
	s6 =	sadd.s32 @!p0 s3, s7;
	s7 =	simm.s32 @!p0 $0x108  }
0x21: {  	s3 =	sadd.s32 s3, s9;
	s6 =	sadd.s32 @!p0 $0x88, s6;
	s7 =	simm.s32 @p2 $0x1082  }
0x22: {  	[simem:s7], [sflag:s8] =	dma.local @!p0 [hbm:s6], $0xF7A  }
0x23: {  	s9 =	sor.u32 $0xD0000000, s2;
	s6 =	simm.s32 $0x108;
	_ =	swait.ge @!p0 [sflag:s8], $0x0  }
0x24: {  	s3 =	sadd.s32 $0x88, s3;
	s6 =	simm.s32 @!p1 $0x1082;
	[sflag:s4] =	ssyncset.s32 $0xFFFFF086  }
0x25: {  	[simem:s6], [sflag:s4] =	dma.local [hbm:s3], $0xF7A  }
0x26: {  	[smem:$0x3F9D] =	sst s1;
	(tag) =	ssettag s2;
	_ =	strace s9  }
0x27: {  	s1 =	sld [smem:$0x3FAD]  }
0x28: {  	s2 =	sld [smem:$0x3FAE]  }
0x29: {  	s4 =	sld [smem:$0x3FB0]  }
0x2a: {  	p0 =	seq.s32 s5, $0x0;
	s5 =	sld [smem:$0x3FB1]  }
0x2b: {  	s6 =	sld [smem:$0x3FB2]  }
0x2c: {  	s7 =	sld [smem:$0x3FB3]  }
0x2d: {  	s3 =	simm.s32 $0x108;
	s8 =	sld [smem:$0x3FB4]  }
0x2e: {  	s3 =	simm.s32 @!p0 $0x1082;
	s9 =	sld [smem:$0x3FB5]  }
0x2f: {  	lr =	sadd.s32 s0, s3;
	s0 =	sld [smem:$0x3FAC]  }
0x30: {  	s3 =	sld [smem:$0x3FAF]  }
0x31: {  	[smem:$0x3FB8] =	sst s10  }
0x32: {  	s10 =	sld [smem:$0x3FB6];
	_ =	sdelay $0x3  }
0x33: {  	p0 =	seq.s32 s10, $0x1;
	s10 =	sld [smem:$0x3FB8];
	_ =	sdelay $0x3  }
0x34: {  	[smem:$0x3FB8] =	sst s10  }
0x35: {  	s10 =	sld [smem:$0x3FB7];
	_ =	sdelay $0x3  }
0x36: {  	p1 =	seq.s32 s10, $0x1;
	s10 =	sld [smem:$0x3FB8];
	_ =	sdelay $0x3  }
0x37: {  	[smem:$0x3FB8] =	sst s10  }
0x38: {  	s10 =	sld [smem:$0x3FB9]  }
0x39: {  	_ = 	snop;
	(pc) =	sbr.ind lr, $3  }
0x3a: {  	_ = 	snop  }
0x3b: {  	_ = 	snop  }
0x3c: {  	p2 =	seq.s32 s10, $0x1;
	s10 =	sld [smem:$0x3FB8]  }
0x3d: {  	_ =	shalt  }
0x3e: {  	_ =	shalt  }
0x3f: {  	_ =	shalt  }
0x40: {  	_ =	shalt  }
0x41: {  	_ =	shalt  }
0x42: {  	_ =	shalt  }
0x43: {  	_ =	shalt  }
0x44: {  	_ =	shalt  }
0x45: {  	_ =	shalt  }
0x46: {  	_ =	shalt  }
0x47: {  	_ =	shalt  }
0x48: {  	_ =	shalt  }
0x49: {  	_ =	shalt  }
0x4a: {  	_ =	shalt  }
0x4b: {  	_ =	shalt  }
0x4c: {  	_ =	shalt  }
0x4d: {  	_ =	shalt  }
0x4e: {  	_ =	shalt  }
0x4f: {  	_ =	shalt  }
0x50: {  	_ =	shalt  }
0x51: {  	_ =	shalt  }
0x52: {  	_ =	shalt  }
0x53: {  	_ =	shalt  }
0x54: {  	_ =	shalt  }
0x55: {  	_ =	shalt  }
0x56: {  	_ =	shalt  }
0x57: {  	_ =	shalt  }
0x58: {  	_ =	shalt  }
0x59: {  	_ =	shalt  }
0x5a: {  	_ =	shalt  }
0x5b: {  	_ =	shalt  }
0x5c: {  	_ =	shalt  }
0x5d: {  	_ =	shalt  }
0x5e: {  	_ =	shalt  }
0x5f: {  	_ =	shalt  }
0x60: {  	_ =	shalt  }
0x61: {  	_ =	shalt  }
0x62: {  	_ =	shalt  }
0x63: {  	_ =	shalt  }
0x64: {  	_ =	shalt  }
0x65: {  	_ =	shalt  }
0x66: {  	_ =	shalt  }
0x67: {  	_ =	shalt  }
0x68: {  	_ =	shalt  }
0x69: {  	_ =	shalt  }
0x6a: {  	_ =	shalt  }
0x6b: {  	_ =	shalt  }
0x6c: {  	_ =	shalt  }
0x6d: {  	_ =	shalt  }
0x6e: {  	_ =	shalt  }
0x6f: {  	_ =	shalt  }
0x70: {  	_ =	shalt  }
0x71: {  	_ =	shalt  }
0x72: {  	_ =	shalt  }
0x73: {  	_ =	shalt  }
0x74: {  	_ =	shalt  }
0x75: {  	_ =	shalt  }
0x76: {  	_ =	shalt  }
0x77: {  	_ =	shalt  }
0x78: {  	_ =	shalt  }
0x79: {  	_ =	shalt  }
0x7a: {  	_ =	shalt  }
0x7b: {  	_ =	shalt  }
0x7c: {  	_ =	shalt  }
0x7d: {  	_ =	shalt  }
0x7e: {  	_ =	shalt  }
0x7f: {  	_ =	shalt  }
0x80: {  	_ =	shalt  }
0x81: {  	_ =	shalt  }
0x82: {  	_ =	shalt  }
0x83: {  	_ =	shalt  }
0x84: {  	_ =	shalt  }
0x85: {  	_ =	shalt  }
0x86: {  	_ =	shalt  }
0x87: {  	_ =	shalt  }
.Lfunc_end0:
.L_simem_size_0:
called_computation.1_lowered:
.L_overlay_start_0:
0x88: {  	s2 =	sld [smem:$0x3FD9]  }
0x89: {  	s3 =	sld [smem:$0x3FFE];
	_ =	sdelay $0x1  }
0x8a: {  	s1 =	srdreg.scid  }
0x8b: {  	s0 =	sand.u32 $0x1, s1  }
0x8c: {  	s17 =	sshll.u32 s0, $0xA;
	s2 =	sadd.s32 s3, s2  }
0x8d: {  	s2 =	sadd.s32 s2, s17  }
0x8e: {  	[smem:$0x3FC4] =	sst s2  }
0x8f: {  	_ = 	snop  }
0x90: {  	s2 =	sld [smem:$0x3FD0];
	(tm) =	ssettm $0x1  }
0x91: {  	s18 =	sld [smem:$0x3FFB];
	_ =	sdelay $0x3  }
0x92: {  	_ =	strace s18  }
0x93: {  	s3 =	sld [smem:$0x3FFC];
	_ =	sdelay $0x3  }
0x94: {  	_ =	strace s3  }
0x95: {  	s3 =	sld [smem:$0x3FFD];
	_ =	sdelay $0x3  }
0x96: {  	_ =	strace s3  }
0x97: {  	_ =	strace $0x8FFFFFFF  }
0x98: {  	s19 =	sld [smem:$0x3FDB];
	_ =	sdelay $0x1  }
0x99: {  	s4 =	simm.s32 $_scs_section_size  }
0x9a: {  	s5 =	simm.s32 $_size__tile_overlayer_lowered;
	s6 =	simm.s32 $_tile_overlayer_lowered  }
0x9b: {  	s22 =	simm.s32 $0x1BFF;
	s21 =	sshll.u32 s6, $0x1;
	s3 =	sadd.s32 s4, s19  }
0x9c: {  	s7 =	simm.s32 $0x0;
	s20 =	sshll.u32 s5, $0x1;
	s5 =	sadd.s32 s21, s3  }
0x9d: {  	[timem:s7], [sflag:s22] =	dma.local [hbm:s5], s20  }
0x9e: {  	_ =	swait.ge [sflag:s22], s20  }
0x9f: {  	s4 =	ssub.s32 $0x0, s20;
	[sflag:s22] =	ssyncset.done $0x0  }
0xa0: {  	[sflag:s22] =	ssyncadd.s32 s4;
	_ =	sdelay $0x1  }
0xa1: {  	s23 =	simm.s32 $0x1B8B  }
0xa2: {  	_ =	swait.ge [sflag:s23], $0x1  }
0xa3: {  	[sflag:s23] =	ssyncset.done $0x0  }
0xa4: {  	s25 =	simm.s32 $0x1B8E;
	s24 =	sld [smem:$0x3FFE];
	[sflag:s23] =	ssyncadd.s32 $0xFFFFFFFF  }
0xa5: {  	s26 =	simm.s32 $execute0_lowered;
	[smem:$0x3FD2] =	sst s25  }
0xa6: {  	s5 =	sshll.u32 s26, $0x1;
	_ =	strace $0x80000046;
	[dreg:$0x1] =	wrdreg $0xFFFFFFFF  }
0xa7: {  	s28 =	simm.s32 $_size_execute0_lowered;
	s3 =	sadd.s32 s3, s5;
	[dreg:$0x0] =	wrdreg $0x0  }
0xa8: {  	s5 =	sshll.u32 s28, $0x1;
	[dreg:$0x2] =	wrdreg s3  }
0xa9: {  	[dreg:$0x3] =	wrdreg s5  }
0xaa: {  	[dreg:$0x4] =	wrdreg $0xC0  }
0xab: {  	_ =	task [dreg:s7], $0x5FFFF  }
0xac: {  	[dreg:$0x1] =	wrdreg $0xFFFFFFFF  }
0xad: {  	[dreg:$0x0] =	wrdreg $0x60  }
0xae: {  	[dreg:$0x2] =	wrdreg s24  }
0xaf: {  	[dreg:$0x3] =	wrdreg s2  }
0xb0: {  	[dreg:$0x4] =	wrdreg $0x9  }
0xb1: {  	_ =	task.clear_ibuf [dreg:s7], $0x5FFFF;
	_ =	strace $0x90000046  }
0xb2: {  	s29 =	simm.s32 $0x9;
	_ =	strace $0x8000004F  }
0xb3: {  	_ =	swait.ge [sflag:s29], $0x1  }
0xb4: {  	[sflag:s29] =	ssyncadd.s32 $0xFFFFFFFF  }
0xb5: {  	_ =	strace $0x9000004F  }
0xb6: {  	_ =	sfence  }
0xb7: {  	s30 =	sld [smem:$0x0];
	_ =	sdelay $0x2  }
0xb8: {  	s31 =	sshll.u32 s1, $0xD;
	s1 =	sshrl.u32 s1, $0x2  }
0xb9: {  	s3 =	sand.u32 $0x4000, s31;
	s1 =	sadd.s32 s1, s30  }
0xba: {  	s0 =	sor.u32 s3, s0;
	s1 =	sshll.u32 s1, $0x11  }
0xbb: {  	s0 =	sor.u32 s1, s0  }
0xbc: {  	s0 =	sadd.s32 $0x8F2B, s0  }
0xbd: {  	[sflag:s0] =	ssyncadd.remote.s32 $0x1  }
0xbe: {  	_ =	sfence.sel $0xFFFF  }
0xbf: {  	[dreg:$0x0] =	wrdreg $0xFFFFFFFF;
	(pc) =	sbr.abs _section_cstart, $3  }
0xc0: {  	[dreg:$0x1] =	wrdreg $0xFFFFFFFF  }
0xc1: {  	_ =	task.clear_ibuf [dreg:s7], $0x2FFFF;
	_ =	strace $0x9FFFFFFF  }
0xc2: {  	(tm) =	ssettm $0x7FFFFFFF  }
0xc3: {  	_ =	shalt  }
tec
execute0_lowered:
.L_overlay_start_1:
0x0: {  	(tag) =	ssettag $0x1  }
0x1: {  	v0 =	vimm.s32 $0x45054404;
	v1 =	vimm.s32 $0x47074606;
	vm0 =	vcmask $0x1F10  }
0x2: {  	v2 =	vimm.s32 $0x43034202;
	v3 =	vimm.s32 $0x4D0D4C0C;
	v4 =	vimm.s32 $0x4F0F4E0E  }
0x3: {  	v5 =	vimm.s32 $0x49094808;
	v6 =	vimm.s32 $0x4B0B4A0A;
	v7 =	vimm.s32 $0x59195818  }
0x4: {  	v8 =	vimm.s32 $0x5B1B5A1A;
	v9 =	vimm.s32 $0x65256424;
	v10 =	vimm.s32 $0x67276626  }
0x5: {  	v57 =	vimm.s32 $0x69296828;
	v58 =	vimm.s32 $0x6B2B6A2A;
	v60 =	vimm.s32 $0x77377636  }
0x6: {  	v62 =	vimm.s32 $0x71317030;
	v11 =	vimm.s32 $0x73337232;
	v12 =	vimm.s32 $0x7D3D7C3C  }
0x7: {  	v13 =	vimm.s32 $0x7F3F7E3E;
	v0 =	vunpack.c.0.s8.s32 v0;
	v1 =	vunpack.c.0.s8.s32 v1  }
0x8: {  	v14 =	vimm.s32 $0x79397838;
	v15 =	vimm.s32 $0x7B3B7A3A;
	v2 =	vunpack.c.0.s8.s32 v2  }
0x9: {  	v3 =	vunpack.c.0.s8.s32 v3;
	v0 =	vsel vm0, v1, v0;
	v1 =	vimm.s32 $0x41014000  }
0xa: {  	v4 =	vunpack.c.0.s8.s32 v4;
	v7 =	vunpack.c.0.s8.s32 v7;
	v1 =	vunpack.c.0.s8.s32 v1  }
0xb: {  	v8 =	vunpack.c.0.s8.s32 v8;
	v56 =	vunpack.c.0.s8.s32 v10;
	v59 =	vunpack.c.0.s8.s32 v58  }
0xc: {  	v1 =	vsel vm0, v2, v1;
	v2 =	vunpack.c.0.s8.s32 v5;
	v5 =	vunpack.c.0.s8.s32 v6  }
0xd: {  	v3 =	vsel vm0, v4, v3;
	v4 =	vimm.s32 $0x55155414;
	v6 =	vimm.s32 $0x57175616  }
0xe: {  	v4 =	vunpack.c.0.s8.s32 v4;
	v2 =	vsel vm0, v5, v2;
	v5 =	vunpack.c.0.s8.s32 v6  }
0xf: {  	v61 =	vunpack.c.0.s8.s32 v60;
	v0 =	vcombine.low v1, v0;
	v1 =	vcombine.low v2, v3  }
0x10: {  	v3 =	vimm.s32 $0x51115010;
	v2 =	vsel vm0, v5, v4;
	v4 =	vimm.s32 $0x53135212  }
0x11: {  	v10 =	vunpack.c.0.s8.s32 v62;
	v3 =	vunpack.c.0.s8.s32 v3;
	v4 =	vunpack.c.0.s8.s32 v4  }
0x12: {  	v11 =	vunpack.c.0.s8.s32 v11;
	v6 =	vimm.s32 $0x5F1F5E1E;
	v5 =	vimm.s32 $0x5D1D5C1C  }
0x13: {  	v6 =	vunpack.c.0.s8.s32 v6;
	v5 =	vunpack.c.0.s8.s32 v5;
	v3 =	vsel vm0, v4, v3  }
0x14: {  	s5 =	rddreg [dreg:$0x0];
	v12 =	vunpack.c.0.s8.s32 v12;
	v13 =	vunpack.c.0.s8.s32 v13;
	v2 =	vcombine.low v3, v2  }
0x15: {  	s1 =	rddreg [dreg:$0x1];
	s2 =	srdreg.scid;
	v3 =	vsel vm0, v6, v5;
	v5 =	vsel vm0, v8, v7;
	v6 =	vimm.s32 $0x63236222  }
0x16: {  	s0 =	rddreg [dreg:$0x2];
	s3 =	simm.s32 $0x0;
	s6 =	sand.u32 $0x1, s2;
	v7 =	vimm.s32 $0x6D2D6C2C;
	v3 =	vcombine.low v5, v3;
	v5 =	vimm.s32 $0x61216020  }
0x17: {  	s10 =	simm.s32 $0x800;
	s2 =	stileid.u32;
	s4 =	sshll.u32 s6, $0x4;
	v8 =	vimm.s32 $0x6F2F6E2E;
	v6 =	vunpack.c.0.s8.s32 v6;
	v5 =	vunpack.c.0.s8.s32 v5  }
0x18: {  	s11 =	simm.s32 $0x80;
	s12 =	simm.s32 $0x5;
	v14 =	vunpack.c.0.s8.s32 v14;
	s7 =	sor.u32 s2, s4;
	v7 =	vunpack.c.0.s8.s32 v7;
	v8 =	vunpack.c.0.s8.s32 v8  }
0x19: {  	s13 =	simm.s32 $0x0;
	[smem:$0x7FF] =	sst s3;
	s8 =	smul.u32 $0x6400, s7;
	v4 =	vunpack.c.0.s8.s32 v9;
	v5 =	vsel vm0, v6, v5;
	v6 =	vunpack.c.0.s8.s32 v57  }
0x1a: {  	v15 =	vunpack.c.0.s8.s32 v15;
	_ =	strace $0x80000047;
	s9 =	sshll.u32 s2, $0x9;
	s6 =	ssub.s32 $0x2, s6;
	v7 =	vsel vm0, v8, v7;
	v8 =	vimm.s32 $0x75357434  }
0x1b: {  	s4 =	sadd.s32 $0xF43200, s5;
	s9 =	sand.u32 $0x600, s9;
	s8 =	sand.u32 $0xFF000, s8;
	v4 =	vsel vm0, v56, v4;
	v8 =	vunpack.c.0.s8.s32 v8;
	v6 =	vsel vm0, v59, v6  }
0x1c: {  	s5 =	sadd.s32 $0xE00, s5;
	s31 =	sshrl.u32 s6, $0x1;
	v63 =	vsel vm0, v15, v14;
	s8 =	sor.u32 s9, s8;
	v4 =	vcombine.low v5, v4;
	v5 =	vcombine.low v6, v7  }
0x1d: {  	s9 =	ssub.s32 s6, s31;
	s6 =	smul.u32 $0xC8, s7;
	s8 =	sshrl.u32 s8, $0x3;
	v6 =	vsel vm0, v61, v8;
	v7 =	vsel vm0, v11, v10;
	v8 =	vsel vm0, v13, v12  }
0x1e: {  	s7 =	sadd.s32 s5, s8;
	s8 =	smax.u32 s9, $0x1;
	s9 =	simm.s32 $0x40;
	v6 =	vcombine.low v7, v6;
	v7 =	vcombine.low v63, v8  }
.LBB2_1:
0x1f: {  	_ =	strace $0x80000048;
	s14 =	simm.s32 $0xC8  }
0x20: {  	s20 =	simm.s32 $0x0;
	s15 =	simm.s32 $0x0;
	s16 =	simm.s32 $0x0  }
0x21: {  	[tilespmem:s11], [sflag:$0x1] =	stream.strided.gather [hbm4b:s7+s9], $0x80, s10, s9, $0x200038;
	[tilespmem:$0x4180] =	vst v63  }
0x22: {  	s17 =	simm.s32 $0x0;
	s18 =	simm.s32 $0x1;
	_ =	strace $0x90000048  }
.LBB2_2:
0x23: {  	s19 =	sadd.s32 $0x1, s20  }
0x24: {  	p0 =	seq.s32 s19, $0xC8  }
0x25: {  	s21 =	sadd.s32 s6, s20;
	s19 =	simm.s32 @p0 $0x0  }
0x26: {  	s23 =	sshra.s32 s21, $0x1F;
	s22 =	sadd.s32 s6, s19  }
0x27: {  	s23 =	sshrl.u32 s23, $0x1B;
	s24 =	sshra.s32 s22, $0x1F  }
0x28: {  	s23 =	sadd.s32 s23, s21;
	s24 =	sshrl.u32 s24, $0x1B  }
0x29: {  	s25 =	sshra.s32 s23, $0x5;
	s23 =	sand.u32 $0xFFFFFFE0, s23;
	s24 =	sadd.s32 s24, s22  }
0x2a: {  	p5 =	slt.s32 s21, $0x1;
	p1 =	sne.s32 s21, s23;
	s26 =	sand.u32 $0xFFFFFFE0, s24  }
0x2b: {  	p6 =	slt.s32 s22, $0x1;
	p0 =	por !p5, !p1;
	p2 =	sne.s32 s22, s26  }
0x2c: {  	s23 =	simm.s32 $0x1;
	p0 =	por !p0, !p0;
	p1 =	por !p6, !p2  }
0x2d: {  	s23 =	simm.s32 @!p0 $0x0;
	s26 =	simm.s32 $0x1;
	p0 =	por !p1, !p1  }
0x2e: {  	s24 =	sshra.s32 s24, $0x5;
	s22 =	sand.u32 $0x1F, s22;
	s26 =	simm.s32 @!p0 $0x0  }
0x2f: {  	s23 =	ssub.s32 s25, s23;
	s25 =	sand.u32 $0x1F, s21;
	s24 =	ssub.s32 s24, s26  }
0x30: {  	p4 =	sne.s32 s14, $0x1;
	p3 =	sne.s32 s25, s22;
	p1 =	sne.s32 s23, s24  }
0x31: {  	p2 =	seq.s32 s20, $0x0;
	s26 =	sadd.s32 $0xFFFFFFFF, s20;
	p0 =	por p3, p1  }
0x32: {  	s26 =	simm.s32 @p2 $0xC7;
	p1 =	por !p4, !p0  }
0x33: {  	s26 =	sadd.s32 s6, s26;
	p1 =	por !p1, !p1  }
0x34: {  	s24 =	sshll.u32 @p1 s24, $0xC;
	s22 =	sshll.u32 @p1 s22, $0x6;
	s28 =	sand.u32 @p1 $0x1, s18  }
0x35: {  	_ =	strace @p1 $0x80000049;
	s29 =	simm.s32 @p1 $0x40;
	s22 =	sor.u32 @p1 s22, s24  }
0x36: {  	s30 =	simm.s32 @p1 $0x800;
	s24 =	sshll.u32 @p1 s28, $0x7;
	s22 =	sshrl.u32 @p1 s22, $0x3  }
0x37: {  	s28 =	sadd.s32 @p1 $0x1, s28;
	s24 =	sadd.s32 @p1 $0x80, s24;
	s22 =	sadd.s32 @p1 s5, s22  }
0x38: {  	[tilespmem:s24], [sflag:s28] =	stream.strided.gather @p1 [hbm4b:s22+s29], $0x80, s30, s29, $0x200038;
	[tilespmem:$0x4180] =	vst v63  }
0x39: {  	s28 =	sshra.s32 s26, $0x1F  }
0x3a: {  	s22 =	sshrl.u32 s28, $0x1B  }
0x3b: {  	s22 =	sadd.s32 s22, s26  }
0x3c: {  	s29 =	sand.u32 $0xFFFFFFE0, s22  }
0x3d: {  	p3 =	slt.s32 s26, $0x1;
	p4 =	sne.s32 s26, s29  }
0x3e: {  	p2 =	seq.s32 s14, $0xC8;
	p3 =	por !p3, !p4  }
0x3f: {  	s24 =	simm.s32 $0x1;
	s26 =	sand.u32 $0x1F, s26;
	p3 =	por !p3, !p3  }
0x40: {  	s22 =	sshra.s32 s22, $0x5;
	s24 =	simm.s32 @!p3 $0x0;
	p3 =	sne.s32 @!p2 s25, s26  }
0x41: {  	s22 =	ssub.s32 s22, s24;
	p3 =	por p2, p3  }
0x42: {  	p4 =	seq.s32 @!p3 s23, s22  }
0x43: {  	p3 =	por p3, !p4  }
0x44: {  	_ =	strace @p1 $0x90000049;
	s22 =	sand.u32 @p3 $0x1, s17  }
0x45: {  	_ =	strace @p3 $0x8000004A;
	s22 =	sadd.s32 @p3 $0x1, s22  }
0x46: {  	_ =	swait.ge @p3 [sflag:s22], $0x80  }
0x47: {  	[sflag:s22] =	ssyncset.done @p3 $0x0  }
0x48: {  	[sflag:s22] =	ssyncadd.s32 @p3 $0xFFFFFF80  }
0x49: {  	s30 =	sshll.u32 s17, $0x7;
	_ =	strace @p3 $0x9000004A  }
0x4a: {  	s22 =	sand.u32 $0x80, s30;
	_ =	strace $0x8000004B  }
0x4b: {  	v8 =	vld.idx.msk [tilespmem:v0+s22+$0x80], $0xffff;
	_ =	sdelay $0x4  }
0x4c: {  	[tilespmem:$0x0] =	vst v8  }
0x4d: {  	v8 =	vld.idx.msk [tilespmem:v1+s22+$0x80], $0xffff;
	_ =	sdelay $0x4  }
0x4e: {  	[tilespmem:$0x10] =	vst v8  }
0x4f: {  	v8 =	vld.idx.msk [tilespmem:v2+s22+$0x80], $0xffff;
	_ =	sdelay $0x4  }
0x50: {  	[tilespmem:$0x20] =	vst v8  }
0x51: {  	v8 =	vld.idx.msk [tilespmem:v3+s22+$0x80], $0xffff;
	_ =	sdelay $0x4  }
0x52: {  	[tilespmem:$0x30] =	vst v8  }
0x53: {  	v8 =	vld.idx.msk [tilespmem:v4+s22+$0x80], $0xffff;
	_ =	sdelay $0x4  }
0x54: {  	[tilespmem:$0x40] =	vst v8  }
0x55: {  	v8 =	vld.idx.msk [tilespmem:v5+s22+$0x80], $0xffff;
	_ =	sdelay $0x4  }
0x56: {  	[tilespmem:$0x50] =	vst v8  }
0x57: {  	v8 =	vld.idx.msk [tilespmem:v6+s22+$0x80], $0xffff;
	_ =	sdelay $0x4  }
0x58: {  	[tilespmem:$0x60] =	vst v8  }
0x59: {  	v8 =	vld.idx.msk [tilespmem:v7+s22+$0x80], $0xffff;
	_ =	sdelay $0x2  }
0x5a: {  	s22 =	sand.u32 $0x1, s16  }
0x5b: {  	s31 =	sshll.u32 s22, $0xD  }
0x5c: {  	p5 =	seq.s32 s14, $0x1;
	p6 =	sne.s32 s20, s19;
	s23 =	sor.u32 $0x180, s31;
	[tilespmem:$0x70] =	vst v8  }
0x5d: {  	[tilespmem:s23], [sflag:$0x5] =	stream.indirect.gather [hbm4b:s4+s11], $0x40, s3, s11, $0x2000b8;
	[tilespmem:$0x4180] =	vst v63  }
0x5e: {  	p4 =	por p5, p6;
	_ =	swait.ge [sflag:s12], $0x2000  }
0x5f: {  	s20 =	sshll.u32 @p4 s21, $0xA;
	[sflag:s12] =	ssyncset.done $0x0  }
0x60: {  	s20 =	sand.u32 @p4 $0x1FFFFC00, s20;
	[sflag:s12] =	ssyncadd.s32 $0xFFFFE000  }
0x61: {  	s20 =	sadd.s32 @p4 s1, s20;
	_ =	strace $0x9000004B  }
0x62: {  	s21 =	sadd.s32 @p4 $0x3, s22;
	s22 =	simm.s32 @p4 $0x0;
	_ =	strace @p4 $0x8000004C  }
0x63: {  	[hbm4b:s20+s22] =	stream.linear.scatter @p4 [tilespmem:s23], [sflag:s21], $0x2000, $0x200038;
	[tilespmem:$0x4180] =	vst v63  }
0x64: {  	s21 =	sand.u32 @!p2 $0x1, s15;
	_ =	strace @p4 $0x9000004C  }
0x65: {  	s21 =	sadd.s32 @!p2 $0x3, s21;
	_ =	strace @!p2 $0x8000004D  }
0x66: {  	p0 =	por p5, p0;
	s20 =	simm.s32 $0x1;
	_ =	swait.ge @!p2 [sflag:s21], $0x2000  }
0x67: {  	s20 =	simm.s32 @!p1 $0x0;
	p1 =	sne.s32 s14, $0xC8;
	[sflag:s21] =	ssyncset.done @!p2 $0x0  }
0x68: {  	s14 =	sadd.s32 $0xFFFFFFFF, s14;
	[sflag:s21] =	ssyncadd.s32 @!p2 $0xFFFFE000;
	s21 =	simm.s32 $0x1  }
0x69: {  	s21 =	simm.s32 @!p0 $0x0;
	p0 =	sne.s32 s14, $0x0  }
.Ltmp0:
0x6a: {  	_ = 	snop;
	(pc) =	sbr.rel @p0 .LBB2_2-.Ltmp0, $4  }
0x6b: {  	s22 =	simm.s32 $0x1;
	s18 =	sadd.s32 s20, s18;
	s20 =	simm.s32 $0x1  }
0x6c: {  	s22 =	simm.s32 @!p4 $0x0;
	s20 =	simm.s32 @!p1 $0x0  }
0x6d: {  	s16 =	sadd.s32 s22, s16;
	s15 =	sadd.s32 s20, s15  }
0x6e: {  	s20 =	smov.u32 s19;
	_ =	strace @!p2 $0x9000004D;
	s17 =	sadd.s32 s21, s17  }
0x6f: {  	s13 =	sadd.s32 $0x1, s13  }
0x70: {  	s14 =	sand.u32 $0x1, s15;
	p0 =	sne.s32 s13, s8  }
.Ltmp1:
0x71: {  	_ =	strace $0x8000004E;
	s14 =	sadd.s32 $0x3, s14;
	(pc) =	sbr.rel @p0 .LBB2_1-.Ltmp1, $4  }
0x72: {  	_ =	swait.ge [sflag:s14], $0x2000  }
0x73: {  	[sflag:s14] =	ssyncset.done $0x0  }
0x74: {  	[sflag:s14] =	ssyncadd.s32 $0xFFFFE000  }
0x75: {  	_ =	strace $0x9000004E  }
0x76: {  	_ =	sfence.sel $0x180000  }
0x77: {  	[bflag:$0x0] =	sbarrier.arrive $0xFFFF  }
0x78: {  	p0 =	sne.s32 s2, $0x0;
	_ =	strace $0x90000047  }
0x79: {  	s0 =	sadd.s32 @!p0 $0x100000, s0;
	[bflag:$0x2] =	sbarrier.arrive $0xFFFF  }
0x7a: {  	[sflag:s0] =	ssyncadd.tile.s32 @!p0 $0x1;
	_ =	shalt  }
.Lfunc_end2:
_tile_overlayer_lowered:
.L_overlay_start_2:
0x7b: {  	(tag) =	ssettag $0x2  }
0x7c: {  	s0 =	rddreg [dreg:$0x0];
	s2 =	stileid.u32  }
0x7d: {  	s1 =	rddreg [dreg:$0x1];
	p0 =	sne.s32 s2, $0x0  }
0x7e: {  	s3 =	rddreg [dreg:$0x2];
	[bflag:$0x3] =	sbarrier.arrive $0xFFFF;
	s2 =	simm.s32 @!p0 $0x1C01  }
0x7f: {  	[timem:s3], [sflag:s2] =	dma.local @!p0 [hbm:s0], s1  }
0x80: {  	s0 =	simm.s32 @!p0 $0x1  }
0x81: {  	_ =	swait.ge @!p0 [sflag:s0], s1  }
0x82: {  	s1 =	ssub.s32 @!p0 $0x0, s1;
	[sflag:s0] =	ssyncset.done @!p0 $0x0  }
0x83: {  	[sflag:s0] =	ssyncadd.s32 @!p0 s1  }
0x84: {  	[bflag:$0x3] =	sbarrier.arrive $0xFFFF  }
0x85: {  	_ =	shalt  }

// kernel: sparse-core-data-format-call.cloned.1.call-start
scs
called_computation_lowered:
.L_overlay_start_0:
0x0: {  	s2 =	sld [smem:$0x3FD9]  }
0x1: {  	s3 =	sld [smem:$0x3FFE];
	_ =	sdelay $0x1  }
0x2: {  	s1 =	srdreg.scid  }
0x3: {  	s0 =	sand.u32 $0x1, s1  }
0x4: {  	s18 =	sshll.u32 s0, $0xA;
	s2 =	sadd.s32 s3, s2  }
0x5: {  	s2 =	sadd.s32 s2, s18  }
0x6: {  	[smem:$0x3FC4] =	sst s2  }
0x7: {  	_ = 	snop  }
0x8: {  	s2 =	sld [smem:$0x3FD0];
	(tm) =	ssettm $0x1  }
0x9: {  	s19 =	sld [smem:$0x3FFB];
	_ =	sdelay $0x3  }
0xa: {  	_ =	strace s19  }
0xb: {  	s3 =	sld [smem:$0x3FFC];
	_ =	sdelay $0x3  }
0xc: {  	_ =	strace s3  }
0xd: {  	s3 =	sld [smem:$0x3FFD];
	_ =	sdelay $0x3  }
0xe: {  	_ =	strace s3  }
0xf: {  	_ =	strace $0x8FFFFFFF  }
0x10: {  	s20 =	sld [smem:$0x3FDB];
	_ =	sdelay $0x1  }
0x11: {  	s4 =	simm.s32 $_scs_section_size  }
0x12: {  	s5 =	simm.s32 $_size__tile_overlayer_lowered;
	s6 =	simm.s32 $_tile_overlayer_lowered  }
0x13: {  	s23 =	simm.s32 $0x1BFF;
	s22 =	sshll.u32 s6, $0x1;
	s3 =	sadd.s32 s4, s20  }
0x14: {  	s7 =	simm.s32 $0x0;
	s21 =	sshll.u32 s5, $0x1;
	s5 =	sadd.s32 s22, s3  }
0x15: {  	[timem:s7], [sflag:s23] =	dma.local [hbm:s5], s21  }
0x16: {  	_ =	swait.ge [sflag:s23], s21  }
0x17: {  	s4 =	ssub.s32 $0x0, s21;
	[sflag:s23] =	ssyncset.done $0x0  }
0x18: {  	[sflag:s23] =	ssyncadd.s32 s4;
	_ =	sdelay $0x1  }
0x19: {  	s24 =	simm.s32 $0x1B8B  }
0x1a: {  	_ =	swait.ge [sflag:s24], $0x1  }
0x1b: {  	[sflag:s24] =	ssyncset.done $0x0  }
0x1c: {  	s26 =	simm.s32 $0x1B8E;
	s25 =	sld [smem:$0x3FFE];
	[sflag:s24] =	ssyncadd.s32 $0xFFFFFFFF  }
0x1d: {  	s27 =	simm.s32 $execute0_lowered;
	[smem:$0x3FD2] =	sst s26  }
0x1e: {  	s5 =	sshll.u32 s27, $0x1;
	_ =	strace $0x80000050;
	[dreg:$0x1] =	wrdreg $0xFFFFFFFF  }
0x1f: {  	s28 =	simm.s32 $_size_execute0_lowered;
	s3 =	sadd.s32 s3, s5;
	[dreg:$0x0] =	wrdreg $0x0  }
0x20: {  	s5 =	sshll.u32 s28, $0x1;
	[dreg:$0x2] =	wrdreg s3  }
0x21: {  	[dreg:$0x3] =	wrdreg s5  }
0x22: {  	[dreg:$0x4] =	wrdreg $0xC0  }
0x23: {  	_ =	task [dreg:s7], $0x5FFFF  }
0x24: {  	[dreg:$0x1] =	wrdreg $0xFFFFFFFF  }
0x25: {  	[dreg:$0x0] =	wrdreg $0x60  }
0x26: {  	[dreg:$0x2] =	wrdreg s2  }
0x27: {  	[dreg:$0x3] =	wrdreg s25  }
0x28: {  	[dreg:$0x4] =	wrdreg $0x9  }
0x29: {  	_ =	task.clear_ibuf [dreg:s7], $0x5FFFF;
	_ =	strace $0x90000050  }
0x2a: {  	s29 =	simm.s32 $0x9;
	_ =	strace $0x80000052  }
0x2b: {  	_ =	swait.ge [sflag:s29], $0x1  }
0x2c: {  	[sflag:s29] =	ssyncadd.s32 $0xFFFFFFFF  }
0x2d: {  	_ =	strace $0x90000052  }
0x2e: {  	_ =	sfence  }
0x2f: {  	s30 =	sld [smem:$0x0];
	_ =	sdelay $0x2  }
0x30: {  	s31 =	sshll.u32 s1, $0xD;
	s1 =	sshrl.u32 s1, $0x2  }
0x31: {  	s3 =	sand.u32 $0x4000, s31;
	s1 =	sadd.s32 s1, s30  }
0x32: {  	s0 =	sor.u32 s3, s0;
	s1 =	sshll.u32 s1, $0x11  }
0x33: {  	s0 =	sor.u32 s1, s0  }
0x34: {  	s0 =	sadd.s32 $0x8F2B, s0  }
0x35: {  	[sflag:s0] =	ssyncadd.remote.s32 $0x1  }
0x36: {  	_ =	sfence.sel $0xFFFF  }
0x37: {  	[dreg:$0x0] =	wrdreg $0xFFFFFFFF;
	(pc) =	sbr.abs _section_cstart, $3  }
0x38: {  	[dreg:$0x1] =	wrdreg $0xFFFFFFFF  }
0x39: {  	_ =	task.clear_ibuf [dreg:s7], $0x2FFFF;
	_ =	strace $0x9FFFFFFF  }
0x3a: {  	(tm) =	ssettm $0x7FFFFFFF  }
0x3b: {  	_ =	shalt  }
tec
execute0_lowered:
.L_overlay_start_1:
0x0: {  	(tag) =	ssettag $0x1  }
0x1: {  	s0 =	srdreg.scid  }
0x2: {  	s1 =	sshll.u32 s0, $0x4  }
0x3: {  	s2 =	rddreg [dreg:$0x0];
	s0 =	stileid.u32;
	s1 =	sand.u32 $0x10, s1  }
0x4: {  	s4 =	rddreg [dreg:$0x1];
	s7 =	simm.s32 $0x1;
	s1 =	sor.u32 s0, s1  }
0x5: {  	s8 =	simm.s32 $0x2;
	s11 =	simm.s32 $0x0;
	s3 =	sshll.u32 s1, $0x7  }
0x6: {  	s10 =	simm.s32 $0x0;
	s4 =	sadd.s32 $0xE00, s4;
	s6 =	ssub.s32 $0x64000, s3  }
.Ltmp0:
0x7: {  	s1 =	rddreg [dreg:$0x2];
	s5 =	sand.u32 $0xF80, s6;
	(pc) =	sbr.rel .LBB1_1-.Ltmp0, $4  }
0x8: {  	_ =	strace $0x80000051;
	s9 =	smov.u32 s3;
	p0 =	sne.s32 s5, $0x0  }
0x9: {  	s6 =	sshrl.u32 s6, $0xC;
	s5 =	simm.s32 $0x1;
	s7 =	simm.s32 @!p0 $0x0  }
0xa: {  	[sflag:s5] =	ssyncpa.u1 $0x0;
	p0 =	por $0x0, $0x0;
	s6 =	sadd.s32 s7, s6  }
0xb: {  	[sflag:s8] =	ssyncpa.u1 $0x0;
	s8 =	simm.s32 $0x320000;
	s7 =	sadd.s32 $0x1, s6  }
.LBB1_4:
0xc: {  	v5 =	vld [tilespmem:s15+$0xFFFFFFD0];
	[tilespmem:s14+$0x2040 ss:$0x81] =	vst.msk $0xffff, v3;
	s17 =	sshll.u32 s11, $0x3  }
0xd: {  	v58 =	vld [tilespmem:s15+$0xFFFFFFE0];
	[tilespmem:s14+$0x2850 ss:$0x81] =	vst.msk $0xffff, v4;
	s25 =	sand.u32 $0x7F, s11;
	s18 =	sand.u32 $0xFFFFFC00, s17  }
0xe: {  	s16 =	sshra.s32 s16, $0x2;
	v59 =	vld [tilespmem:s15+$0xFFFFFFF0];
	[tilespmem:s14+$0x3060 ss:$0x81] =	vst.msk $0xffff, v2;
	s11 =	sor.u32 s25, s18  }
0xf: {  	v60 =	vld [tilespmem:s15+$0x0];
	[tilespmem:s14+$0x0 ss:$0x81] =	vst.msk $0xffff, v0;
	s13 =	sadd.s32 s16, s13;
	s26 =	smulhi.u32 $0x51EB851F, s11  }
0x10: {  	v61 =	vld [tilespmem:s15+$0x10];
	s27 =	smulhi.u32 $0x51EB851F, s17;
	[tilespmem:s13+$0x3870 ss:$0x81] =	vst.msk $0xffff, v1  }
0x11: {  	v62 =	vld [tilespmem:s15+$0x20];
	[tilespmem:s13+$0x810 ss:$0x81] =	vst.msk $0xffff, v5;
	s14 =	sshrl.u32 s26, $0x11  }
0x12: {  	v63 =	vld [tilespmem:s15+$0xFFFFFFC0];
	s28 =	sshrl.u32 s27, $0x11;
	[tilespmem:s13+$0x1020 ss:$0x81] =	vst.msk $0xffff, v58;
	s14 =	smul.u32 $0x64000, s14  }
0x13: {  	s15 =	sand.u32 $0x7F, s28;
	[tilespmem:s13+$0x1830 ss:$0x81] =	vst.msk $0xffff, v59  }
0x14: {  	[tilespmem:s13+$0x2040 ss:$0x81] =	vst.msk $0xffff, v60;
	s29 =	smul.u32 $0xC800, s15;
	s11 =	ssub.s32 s11, s14  }
0x15: {  	[tilespmem:s13+$0x2850 ss:$0x81] =	vst.msk $0xffff, v61;
	s30 =	sand.u32 $0x7, s11  }
0x16: {  	[tilespmem:s13+$0x3060 ss:$0x81] =	vst.msk $0xffff, v62;
	s14 =	sadd.s32 s4, s29;
	s11 =	sshrl.u32 s11, $0x3;
	s15 =	sshll.u32 s30, $0x12  }
0x17: {  	[tilespmem:s13+$0x0 ss:$0x81] =	vst.msk $0xffff, v63;
	s11 =	sadd.s32 s11, s14;
	s31 =	sor.u32 $0x400, s15  }
0x18: {  	[hbm4b:s11+s31] =	stream.strided.scatter [tilespmem:s12], [sflag:$0x2], $0x4000, s8, s31, $0x20;
	[tilespmem:$0x10100] =	vst v63  }
.LBB1_5:
0x19: {  	s13 =	sadd.s32 $0x1000, s9  }
0x1a: {  	p2 =	sgt.s32 s13, $0x63FFF  }
0x1b: {  	s13 =	smov.u32 @p2 s3;
	p2 =	sne.s32 s10, s7  }
.Ltmp1:
0x1c: {  	p1 =	slt.u32 s10, $0x2;
	(pc) =	sbr.rel @!p2 .LBB1_6-.Ltmp1, $4  }
0x1d: {  	s12 =	simm.s32 @!p1 $0x2  }
0x1e: {  	s14 =	sadd.s32 $0x1, s10;
	_ =	swait.ge @!p1 [sflag:s12], $0x4000  }
0x1f: {  	s11 =	smov.u32 s9;
	p0 =	por !p0, !p0;
	[sflag:s12] =	ssyncset.done @!p1 $0x0  }
0x20: {  	s10 =	smov.u32 s14;
	s9 =	smov.u32 s13;
	[sflag:s12] =	ssyncadd.s32 @!p1 $0xFFFFC000  }
.LBB1_1:
0x21: {  	p1 =	sge.u32 s10, s6  }
0x22: {  	s12 =	sand.u32 @!p1 $0x1FFFFFF, s9  }
0x23: {  	s13 =	smulhi.u32 @!p1 $0x147AE15, s12;
	_ =	sdelay $0x1  }
0x24: {  	s13 =	sshrl.u32 @!p1 s13, $0xB  }
0x25: {  	s13 =	smul.u32 @!p1 $0x64000, s13;
	_ =	sdelay $0x1  }
0x26: {  	s14 =	sxor.u32 @!p1 $0xFFFFFFFF, s10;
	s12 =	ssub.s32 @!p1 s12, s13  }
0x27: {  	s31 =	sadd.s32 $0xFFFFFFFF, s10;
	s13 =	sshll.u32 @!p1 s14, $0xE;
	s12 =	sshll.u32 @!p1 s12, $0x4  }
0x28: {  	s14 =	simm.s32 @!p1 $0x0;
	s13 =	sand.u32 @!p1 $0x4000, s13;
	s12 =	sadd.s32 @!p1 s2, s12  }
0x29: {  	[tilespmem:s13], [sflag:$0x1] =	stream.linear.gather @!p1 [hbm4b:s12+s14], $0x4000, $0x38;
	[tilespmem:$0x10100] =	vst v63  }
0x2a: {  	p1 =	sge.u32 s31, s6  }
.Ltmp2:
0x2b: {  	_ = 	snop;
	(pc) =	sbr.rel @p1 .LBB1_5-.Ltmp2, $1  }
0x2c: {  	_ =	sdelay $0x3  }
0x2d: {  	s12 =	simm.s32 $0x1  }
0x2e: {  	_ =	swait.ge [sflag:s5], $0x4000;
	s12 =	simm.s32 @!p0 $0x0  }
0x2f: {  	[sflag:s5] =	ssyncset.done $0x0;
	s13 =	sshll.u32 s12, $0xE  }
0x30: {  	[sflag:s5] =	ssyncadd.s32 $0xFFFFC000;
	s15 =	sor.u32 $0x40, s13  }
0x31: {  	s12 =	smul.u32 $0x10200, s12;
	v0 =	vld [tilespmem:s15+$0x30]  }
0x32: {  	v1 =	vld [tilespmem:s15+$0xFFFFFFD0]  }
0x33: {  	s12 =	sshrl.u32 s12, $0x2;
	v5 =	vld [tilespmem:s15+$0xFFFFFFE0]  }
0x34: {  	v6 =	vld [tilespmem:s15+$0xFFFFFFF0];
	s13 =	sor.u32 $0x8000, s12  }
0x35: {  	s31 =	sand.u32 $0x1, s10;
	v3 =	vld [tilespmem:s15+$0x0];
	s14 =	sadd.s32 $0x0, s13  }
0x36: {  	v4 =	vld [tilespmem:s15+$0x10];
	s12 =	smul.u32 $0x10200, s31;
	[tilespmem:s14+$0x3870 ss:$0x81] =	vst.msk $0xffff, v0  }
0x37: {  	v2 =	vld [tilespmem:s15+$0x20];
	[tilespmem:s14+$0x810 ss:$0x81] =	vst.msk $0xffff, v1  }
0x38: {  	s12 =	sshrl.u32 s12, $0x2;
	v0 =	vld [tilespmem:s15+$0xFFFFFFC0];
	[tilespmem:s14+$0x1020 ss:$0x81] =	vst.msk $0xffff, v5;
	s15 =	sadd.s32 $0x80, s15  }
0x39: {  	s16 =	simm.s32 $0x4;
	s17 =	simm.s32 $0x8;
	s12 =	sor.u32 $0x8000, s12;
	[tilespmem:s14+$0x1830 ss:$0x81] =	vst.msk $0xffff, v6;
	v1 =	vld [tilespmem:s15+$0x30]  }
.LBB1_3:
0x3a: {  	p1 =	sne.s32 s17, $0x1FC;
	v5 =	vld [tilespmem:s15+$0xFFFFFFD0];
	[tilespmem:s14+$0x2040 ss:$0x81] =	vst.msk $0xffff, v3  }
0x3b: {  	v6 =	vld [tilespmem:s15+$0xFFFFFFE0];
	[tilespmem:s14+$0x2850 ss:$0x81] =	vst.msk $0xffff, v4  }
0x3c: {  	s18 =	sshra.s32 s16, $0x2;
	s16 =	smov.u32 s17;
	v7 =	vld [tilespmem:s15+$0xFFFFFFF0];
	[tilespmem:s14+$0x3060 ss:$0x81] =	vst.msk $0xffff, v2  }
.Ltmp3:
0x3d: {  	v3 =	vld [tilespmem:s15+$0x0];
	[tilespmem:s14+$0x0 ss:$0x81] =	vst.msk $0xffff, v0;
	s14 =	sadd.s32 s18, s13;
	(pc) =	sbr.rel @p1 .LBB1_3-.Ltmp3, $4  }
0x3e: {  	v4 =	vld [tilespmem:s15+$0x10];
	[tilespmem:s14+$0x3870 ss:$0x81] =	vst.msk $0xffff, v1  }
0x3f: {  	[tilespmem:s14+$0x810 ss:$0x81] =	vst.msk $0xffff, v5;
	v2 =	vld [tilespmem:s15+$0x20]  }
0x40: {  	v0 =	vld [tilespmem:s15+$0xFFFFFFC0];
	[tilespmem:s14+$0x1020 ss:$0x81] =	vst.msk $0xffff, v6;
	s15 =	sadd.s32 $0x80, s15  }
0x41: {  	s17 =	sadd.s32 $0x4, s17;
	v1 =	vld [tilespmem:s15+$0x30];
	[tilespmem:s14+$0x1830 ss:$0x81] =	vst.msk $0xffff, v7  }
.Ltmp4:
0x42: {  	_ = 	snop;
	(pc) =	sbr.rel .LBB1_4-.Ltmp4, $1  }
0x43: {  	_ =	sdelay $0x3  }
.LBB1_6:
0x44: {  	_ =	sfence.sel $0x180000  }
0x45: {  	s2 =	simm.s32 $0x1;
	[bflag:$0x0] =	sbarrier.arrive $0xFFFF  }
0x46: {  	s31 =	simm.s32 $0x2;
	[sflag:s2] =	ssyncpa.u1 $0x1  }
0x47: {  	[sflag:s31] =	ssyncpa.u1 $0x1  }
0x48: {  	p0 =	sne.s32 s0, $0x0;
	_ =	strace $0x90000051  }
0x49: {  	s0 =	sadd.s32 @!p0 $0x100000, s1;
	[bflag:$0x2] =	sbarrier.arrive $0xFFFF  }
0x4a: {  	[sflag:s0] =	ssyncadd.tile.s32 @!p0 $0x1;
	_ =	shalt  }
.Lfunc_end1:
_tile_overlayer_lowered:
.L_overlay_start_2:
0x4b: {  	(tag) =	ssettag $0x2  }
0x4c: {  	s0 =	rddreg [dreg:$0x0];
	s2 =	stileid.u32  }
0x4d: {  	s1 =	rddreg [dreg:$0x1];
	p0 =	sne.s32 s2, $0x0  }
0x4e: {  	s3 =	rddreg [dreg:$0x2];
	[bflag:$0x3] =	sbarrier.arrive $0xFFFF;
	s2 =	simm.s32 @!p0 $0x1C01  }
0x4f: {  	[timem:s3], [sflag:s2] =	dma.local @!p0 [hbm:s0], s1  }
0x50: {  	s0 =	simm.s32 @!p0 $0x1  }
0x51: {  	_ =	swait.ge @!p0 [sflag:s0], s1  }
0x52: {  	s1 =	ssub.s32 @!p0 $0x0, s1;
	[sflag:s0] =	ssyncset.done @!p0 $0x0  }
0x53: {  	[sflag:s0] =	ssyncadd.s32 @!p0 s1  }
0x54: {  	[bflag:$0x3] =	sbarrier.arrive $0xFFFF  }
0x55: {  	_ =	shalt  }

</sc_bundles>
